<compile_context>
chip_gen: v7x
topology: tpu7x:2x2x1
jax: 0.10.2.dev20260603
libtpu: 0.0.44.dev20260713+nightly
codegen_flags: <defaults>
</compile_context>

<pallas_src>
import jax
import jax.numpy as jnp
from jax.experimental import pallas as pl
from jax.experimental.pallas import tpu as pltpu
from jax.experimental.pallas import tpu_sc as plsc

NUM_COLS = 26
VOCAB = 1000
D_MODEL = 64
BATCH = 4096
STRIDE = 1024
TOTAL = BATCH * NUM_COLS
WINDOW = 128
CGRID = 2
CCOLS = NUM_COLS // CGRID


def _combine_body(tables_ref, col_ref, comb_ref):
    for k in range(CCOLS):
        comb_ref[k * STRIDE : k * STRIDE + VOCAB + 1, :] = (
            tables_ref[k] + col_ref[k]
        )


_combine = pl.pallas_call(
    _combine_body,
    grid=(CGRID,),
    in_specs=[
        pl.BlockSpec((CCOLS, VOCAB + 1, D_MODEL), lambda c: (c, 0, 0)),
        pl.BlockSpec((CCOLS, 1, D_MODEL), lambda c: (c, 0, 0)),
    ],
    out_specs=pl.BlockSpec((CCOLS * STRIDE, D_MODEL), lambda c: (c, 0)),
    out_shape=jax.ShapeDtypeStruct((NUM_COLS * STRIDE, D_MODEL), jnp.float32),
)

def _pad_idx_body(x_cat_ref, idx_ref):
    col_ids = jax.lax.broadcasted_iota(jnp.int32, (BATCH // 8, NUM_COLS), 1)
    idx_ref[:, :NUM_COLS] = x_cat_ref[...] + col_ids * STRIDE


_pad_idx = pl.pallas_call(
    _pad_idx_body,
    grid=(8,),
    in_specs=[pl.BlockSpec((BATCH // 8, NUM_COLS), lambda i: (i, 0))],
    out_specs=pl.BlockSpec((BATCH // 8, 128), lambda i: (i, 0)),
    out_shape=jax.ShapeDtypeStruct((BATCH, 128), jnp.int32),
)

_mesh = plsc.VectorSubcoreMesh(core_axis_name="c", subcore_axis_name="s")

BROWS = 32
WROWS = BROWS * NUM_COLS
NCHUNK = WROWS // 16
GSLICE = 104
LANES = 16


@pl.kernel(
    out_type=jax.ShapeDtypeStruct((TOTAL, D_MODEL), jnp.float32),
    mesh=_mesh,
    compiler_params=pltpu.CompilerParams(
        use_tc_tiling_on_sc=False, needs_layout_passes=False
    ),
    scratch_types=[
        pltpu.VMEM((WROWS,), jnp.int32),
        pltpu.VMEM((WROWS,), jnp.int32),
        pltpu.VMEM((WROWS,), jnp.int32),
        pltpu.SemaphoreType.DMA,
    ],
)
def _sc_gather(x_hbm, table_hbm, out_hbm, rows_v, cols_v, idx_v, sem):
    @pl.loop(0, WROWS, step=LANES)
    def _(j):
        p = jax.lax.iota(jnp.int32, LANES) + j
        rows_v[pl.ds(j, LANES)] = p // NUM_COLS
        cols_v[pl.ds(j, LANES)] = jax.lax.rem(p, NUM_COLS)

    def body(x_vmem, o_vmem):
        @pl.loop(0, WROWS, step=LANES)
        def _(j):
            r = rows_v[pl.ds(j, LANES)]
            c = cols_v[pl.ds(j, LANES)]
            idx_v[pl.ds(j, LANES)] = plsc.load_gather(x_vmem, [r, c])

        copies = [
            pltpu.make_async_copy(
                table_hbm.at[idx_v.at[pl.ds(k * GSLICE, GSLICE)]],
                o_vmem.at[pl.ds(k * GSLICE, GSLICE)],
                sem,
            )
            for k in range(WROWS // GSLICE)
        ]
        for c in copies:
            c.start()
        for c in copies:
            c.wait()

    pltpu.emit_pipeline(
        body,
        grid=(BATCH // BROWS,),
        in_specs=[pl.BlockSpec((BROWS, 128), index_map=lambda i: (i, 0))],
        out_specs=[pl.BlockSpec((WROWS, D_MODEL), index_map=lambda i: (i, 0))],
        core_axis_name=("c", "s"),
        dimension_semantics=(pltpu.PARALLEL,),
    )(x_hbm, out_hbm)


def kernel(x_cat, tables, col_type):
    comb = _combine(tables, col_type.reshape(NUM_COLS, 1, D_MODEL))
    idx128 = _pad_idx(x_cat.astype(jnp.int32))
    flat = _sc_gather(idx128, comb)
    return flat.reshape(BATCH, NUM_COLS, D_MODEL)

# --- scband reference (transcript-rebuilt; emitter-appended) ---
"""Pipeline reference for scband-column-embedding-74577812128404 (READ-ONLY COPY).

The authoritative reference and input builder live on the scoring server;
editing this copy changes nothing except your own understanding.
"""

import jax, jax.numpy as jnp
import numpy as np

NUM_COLS = 26
VOCAB = 1000
D_MODEL = 64
BATCH = 4096

def setup_inputs(seed: int = 0) -> dict:
    key = jax.random.key(seed)
    k1, k2, k3 = jax.random.split(key, 3)
    x_cat = jax.random.randint(k1, (BATCH, NUM_COLS), 0, VOCAB, dtype=jnp.int64 if jax.config.jax_enable_x64 else jnp.int32)
    # Per-column embedding tables, each (VOCAB+1, D_MODEL), stacked since all columns share vocab size
    tables = jax.random.normal(k2, (NUM_COLS, VOCAB + 1, D_MODEL), dtype=jnp.float32)
    # Column-type (segment) embedding table (NUM_COLS, D_MODEL)
    col_type = jax.random.normal(k3, (NUM_COLS, D_MODEL), dtype=jnp.float32)
    return {"x_cat": x_cat, "tables": tables, "col_type": col_type}

def reference(x_cat, tables, col_type):
    # For each column i, gather from its own table: out[b, i, :] = tables[i, x_cat[b, i], :]
    col_idx = jnp.arange(NUM_COLS)[None, :]  # (1, NUM_COLS) broadcast against (BATCH, NUM_COLS)
    out = tables[col_idx, x_cat]  # (BATCH, NUM_COLS, D_MODEL)
    # Add learned column-type embedding (segment embedding)
    out = out + col_type[None, :, :]
    return out

if __name__ == "__main__":
    import jax
    _d = setup_inputs()
    print(jax.jit(kernel)(*tuple(_d.values())))

</pallas_src>

<mosaic_0001>
#map = affine_map<(d0, d1) -> (0, 0)>
module attributes {stable_mosaic.version = 14 : i64} {
  func.func @_sc_gather(%arg0: i32, %arg1: i32, %arg2: memref<4096x128xi32, #tpu.memory_space<hbm>>, %arg3: memref<26624x64xf32, #tpu.memory_space<hbm>>, %arg4: memref<106496x64xf32, #tpu.memory_space<hbm>>, %arg5: memref<832xi32, #tpu.memory_space<vmem>>, %arg6: memref<832xi32, #tpu.memory_space<vmem>>, %arg7: memref<832xi32, #tpu.memory_space<vmem>>, %arg8: memref<!tpu.dma_semaphore, #tpu.memory_space<semaphore_mem>>) attributes {dimension_semantics = [#tpu.dimension_semantics<core_parallel>, #tpu.dimension_semantics<subcore_parallel>], iteration_bounds = array<i64: 2, 16>, scalar_prefetch = 0 : i64, scratch_operands = 4 : i64, tpu.core_type = #tpu.core_type<sc_vector_subcore>, window_params = [{transform_indices = #map}, {transform_indices = #map}, {transform_indices = #map}]} {
    %scan3A = arith.constant 0 : i32
    %scan3A_0 = arith.constant 52 : i32
    %scan3A_1 = arith.addi %scan3A, %scan3A_0 : i32
    %scan3A_2 = arith.constant 1 : i32
    scf.for %scan3A_11 = %scan3A to %scan3A_1 step %scan3A_2  : i32 {
      %mul3A_12 = arith.constant 16 : i32
      %mul3A_13 = arith.muli %scan3A_11, %mul3A_12 : i32
      %add3A_14 = arith.constant 0 : i32
      %add3A_15 = arith.addi %add3A_14, %mul3A_13 : i32
      %iota3A = tpu.iota {dimensions = array<i32: 0>} : vector<16xi32>
      %add3A_16 = vector.broadcast %add3A_15 : i32 to vector<16xi32>
      %add3A_17 = arith.addi %iota3A, %add3A_16 : vector<16xi32>
      %jit3A = arith.constant 26 : i32
      %div3A = vector.broadcast %jit3A : i32 to vector<16xi32>
      %div3A_18 = arith.divsi %add3A_17, %div3A : vector<16xi32>
      %sign3A = arith.constant 0 : i32
      %sign3A_19 = vector.broadcast %sign3A : i32 to vector<16xi32>
      %sign3A_20 = arith.cmpi sgt, %add3A_17, %sign3A_19 : vector<16xi32>
      %sign3A_21 = arith.extui %sign3A_20 : vector<16xi1> to vector<16xi32>
      %sign3A_22 = arith.constant 0 : i32
      %sign3A_23 = vector.broadcast %sign3A_22 : i32 to vector<16xi32>
      %sign3A_24 = arith.cmpi slt, %add3A_17, %sign3A_23 : vector<16xi32>
      %sign3A_25 = arith.extui %sign3A_24 : vector<16xi1> to vector<16xi32>
      %sign3A_26 = arith.subi %sign3A_21, %sign3A_25 : vector<16xi32>
      %sign3A_27 = arith.constant 0 : i32
      %sign3A_28 = arith.cmpi sgt, %jit3A, %sign3A_27 : i32
      %sign3A_29 = arith.extui %sign3A_28 : i1 to i32
      %sign3A_30 = arith.constant 0 : i32
      %sign3A_31 = arith.cmpi slt, %jit3A, %sign3A_30 : i32
      %sign3A_32 = arith.extui %sign3A_31 : i1 to i32
      %sign3A_33 = arith.subi %sign3A_29, %sign3A_32 : i32
      %ne3A = vector.broadcast %sign3A_33 : i32 to vector<16xi32>
      %ne3A_34 = arith.cmpi ne, %sign3A_26, %ne3A : vector<16xi32>
      %rem3A = vector.broadcast %jit3A : i32 to vector<16xi32>
      %rem3A_35 = arith.remsi %add3A_17, %rem3A : vector<16xi32>
      %ne3A_36 = arith.constant 0 : i32
      %ne3A_37 = vector.broadcast %ne3A_36 : i32 to vector<16xi32>
      %ne3A_38 = arith.cmpi ne, %rem3A_35, %ne3A_37 : vector<16xi32>
      %and3A = arith.andi %ne3A_34, %ne3A_38 : vector<16xi1>
      %sub3A = arith.constant 1 : i32
      %sub3A_39 = vector.broadcast %sub3A : i32 to vector<16xi32>
      %sub3A_40 = arith.subi %div3A_18, %sub3A_39 : vector<16xi32>
      %select_n3A = arith.select %and3A, %sub3A_40, %div3A_18 : vector<16xi1>, vector<16xi32>
      %swap3A = arith.index_cast %add3A_15 : i32 to index
      %swap3A_41 = tpu.vector_load %arg5[%swap3A] {strides = array<i32>} : memref<832xi32, #tpu.memory_space<vmem>>, vector<16xi32>,
      tpu.vector_store %arg5[%swap3A], %select_n3A {strides = array<i32>} : memref<832xi32, #tpu.memory_space<vmem>>, vector<16xi32>,
      %rem3A_42 = arith.constant 26 : i32
      %rem3A_43 = vector.broadcast %rem3A_42 : i32 to vector<16xi32>
      %rem3A_44 = arith.remsi %add3A_17, %rem3A_43 : vector<16xi32>
      %swap3A_45 = arith.index_cast %add3A_15 : i32 to index
      %swap3A_46 = tpu.vector_load %arg6[%swap3A_45] {strides = array<i32>} : memref<832xi32, #tpu.memory_space<vmem>>, vector<16xi32>,
      tpu.vector_store %arg6[%swap3A_45], %rem3A_44 {strides = array<i32>} : memref<832xi32, #tpu.memory_space<vmem>>, vector<16xi32>,
    }
    %scan3A_3 = arith.constant 52 : i32
    %mul3A = arith.constant 1 : i32
    %mul3A_4 = arith.muli %arg1, %mul3A : i32
    %add3A = arith.constant 0 : i32
    %add3A_5 = arith.addi %add3A, %mul3A_4 : i32
    %mul3A_6 = arith.constant 16 : i32
    %mul3A_7 = arith.muli %arg0, %mul3A_6 : i32
    %add3A_8 = arith.addi %add3A_5, %mul3A_7 : i32
    %mul3A_9 = arith.constant 4 : i32
    %mul3A_10 = arith.muli %add3A_8, %mul3A_9 : i32
    "tpu.region"() ({
      %run_scoped3A = memref.alloca() : memref<2x32x128xi32, #tpu.memory_space<vmem>>
      %run_scoped3A_11 = tpu.sem_alloc : memref<2x!tpu.dma_semaphore, #tpu.memory_space<semaphore_mem>>
      %run_scoped3A_12 = memref.alloca() : memref<2x832x64xf32, #tpu.memory_space<vmem>>
      %run_scoped3A_13 = tpu.sem_alloc : memref<2x!tpu.dma_semaphore, #tpu.memory_space<semaphore_mem>>
      %add3A_14 = arith.constant 0 : i32
      %add3A_15 = arith.addi %add3A_14, %mul3A_10 : i32
      %select_n3A = arith.constant true
      %select_n3A_16 = arith.constant 0 : i32
      %select_n3A_17 = arith.constant -1 : i32
      %select_n3A_18 = arith.select %select_n3A, %select_n3A_17, %select_n3A_16 : i32
      %eq3A = arith.constant -1 : i32
      %eq3A_19 = arith.cmpi eq, %select_n3A_18, %eq3A : i32
      %select_n3A_20 = arith.constant 3 : i32
      %select_n3A_21 = arith.select %eq3A_19, %select_n3A_20, %select_n3A_18 : i32
      %add3A_22 = arith.addi %select_n3A_21, %mul3A_10 : i32
      %select_n3A_23 = arith.constant true
      %select_n3A_24 = arith.constant 0 : i32
      %select_n3A_25 = arith.constant 1 : i32
      %select_n3A_26 = arith.select %select_n3A_23, %select_n3A_25, %select_n3A_24 : i32
      %eq3A_27 = arith.constant 4 : i32
      %eq3A_28 = arith.cmpi eq, %select_n3A_26, %eq3A_27 : i32
      %select_n3A_29 = arith.constant 0 : i32
      %select_n3A_30 = arith.select %eq3A_28, %select_n3A_29, %select_n3A_26 : i32
      %add3A_31 = arith.addi %select_n3A_30, %mul3A_10 : i32
      %add3A_32 = arith.constant 1 : i32
      %add3A_33 = arith.addi %select_n3A_30, %add3A_32 : i32
      %select_n3A_34 = arith.constant true
      %select_n3A_35 = arith.select %select_n3A_34, %add3A_33, %select_n3A_30 : i32
      %eq3A_36 = arith.constant 4 : i32
      %eq3A_37 = arith.cmpi eq, %select_n3A_35, %eq3A_36 : i32
      %select_n3A_38 = arith.constant 0 : i32
      %select_n3A_39 = arith.select %eq3A_37, %select_n3A_38, %select_n3A_35 : i32
      %add3A_40 = arith.addi %select_n3A_39, %mul3A_10 : i32
      "tpu.trace_start"() <{level = 10 : i32, message = "ep_initialize_0"}> : () -> ()
      %rem3A = arith.constant 0 : i32
      %rem3A_41 = arith.constant 2 : i32
      %rem3A_42 = arith.remui %rem3A, %rem3A_41 : i32
      %mul3A_43 = arith.constant 32 : i32
      %mul3A_44 = arith.muli %mul3A_43, %add3A_15 : i32
      %dma_start3A = arith.constant 0 : i32
      %dma_start3A_45 = arith.constant 0 : i32
      %dma_start3A_46 = tpu.memref_slice %run_scoped3A[%rem3A_42, %dma_start3A, %dma_start3A_45] : memref<2x32x128xi32, #tpu.memory_space<vmem>> -> memref<1x32x128xi32, #tpu.memory_space<vmem>>
      %dma_start3A_47 = tpu.memref_squeeze %dma_start3A_46 : memref<1x32x128xi32, #tpu.memory_space<vmem>> -> memref<32x128xi32, #tpu.memory_space<vmem>>
      %dma_start3A_48 = arith.constant 0 : i32
      %dma_start3A_49 = tpu.memref_slice %arg2[%mul3A_44, %dma_start3A_48] : memref<4096x128xi32, #tpu.memory_space<hbm>> -> memref<32x128xi32, #tpu.memory_space<hbm>>
      %dma_start3A_50 = tpu.memref_slice %run_scoped3A_11[%rem3A_42] : memref<2x!tpu.dma_semaphore, #tpu.memory_space<semaphore_mem>> -> memref<1x!tpu.dma_semaphore, #tpu.memory_space<semaphore_mem>>
      %dma_start3A_51 = tpu.memref_squeeze %dma_start3A_50 : memref<1x!tpu.dma_semaphore, #tpu.memory_space<semaphore_mem>> -> memref<!tpu.dma_semaphore, #tpu.memory_space<semaphore_mem>>
      %dma_start3A_52 = arith.constant 0 : i32
      %dma_start3A_53 = arith.constant 0 : i32
      %dma_start3A_54 = tpu.memref_slice %run_scoped3A[%rem3A_42, %dma_start3A_52, %dma_start3A_53] : memref<2x32x128xi32, #tpu.memory_space<vmem>> -> memref<1x32x128xi32, #tpu.memory_space<vmem>>
      %dma_start3A_55 = tpu.memref_squeeze %dma_start3A_54 : memref<1x32x128xi32, #tpu.memory_space<vmem>> -> memref<32x128xi32, #tpu.memory_space<vmem>>
      %dma_start3A_56 = arith.constant 0 : i32
      %dma_start3A_57 = tpu.memref_slice %arg2[%mul3A_44, %dma_start3A_56] : memref<4096x128xi32, #tpu.memory_space<hbm>> -> memref<32x128xi32, #tpu.memory_space<hbm>>
      tpu.enqueue_dma source(%dma_start3A_57 : memref<32x128xi32, #tpu.memory_space<hbm>>) target(%dma_start3A_55 : memref<32x128xi32, #tpu.memory_space<vmem>>) target_semaphore(%dma_start3A_51 : memref<!tpu.dma_semaphore, #tpu.memory_space<semaphore_mem>>)
      %add3A_58 = arith.constant 0 : i32
      %add3A_59 = arith.constant 1 : i32
      %add3A_60 = arith.addi %add3A_58, %add3A_59 : i32
      %select_n3A_61 = arith.constant true
      %select_n3A_62 = arith.constant 0 : i32
      %select_n3A_63 = arith.select %select_n3A_61, %add3A_60, %select_n3A_62 : i32
      "tpu.trace_stop"() : () -> ()
      %scan3A_64 = arith.constant 0 : i32
      %scan3A_65 = arith.constant 0 : i32
      %scan3A_66 = arith.constant 0 : i32
      %scan3A_67 = arith.constant 0 : i32
      %scan3A_68 = arith.constant 0 : i32
      %scan3A_69 = arith.constant 4 : i32
      %scan3A_70 = arith.addi %scan3A_68, %scan3A_69 : i32
      %scan3A_71 = arith.constant 1 : i32
      %scan3A_72:5 = scf.for %scan3A_126 = %scan3A_68 to %scan3A_70 step %scan3A_71 iter_args(%scan3A_127 = %select_n3A_63, %scan3A_128 = %scan3A_64, %scan3A_129 = %scan3A_65, %scan3A_130 = %scan3A_66, %scan3A_131 = %scan3A_67) -> (i32, i32, i32, i32, i32)  : i32 {
        %eq3A_132 = arith.constant 0 : i32
        %eq3A_133 = arith.cmpi eq, %scan3A_126, %eq3A_132 : i32
        %eq3A_134 = arith.constant 3 : i32
        %eq3A_135 = arith.cmpi eq, %scan3A_126, %eq3A_134 : i32
        %add3A_136 = arith.addi %scan3A_131, %mul3A_10 : i32
        %sub3A_137 = arith.constant 1 : i32
        %sub3A_138 = arith.subi %scan3A_131, %sub3A_137 : i32
        %select_n3A_139 = arith.constant true
        %select_n3A_140 = arith.select %select_n3A_139, %sub3A_138, %scan3A_131 : i32
        %eq3A_141 = arith.constant -1 : i32
        %eq3A_142 = arith.cmpi eq, %select_n3A_140, %eq3A_141 : i32
        %select_n3A_143 = arith.constant 3 : i32
        %select_n3A_144 = arith.select %eq3A_142, %select_n3A_143, %select_n3A_140 : i32
        %add3A_145 = arith.addi %select_n3A_144, %mul3A_10 : i32
        %add3A_146 = arith.constant 1 : i32
        %add3A_147 = arith.addi %scan3A_131, %add3A_146 : i32
        %select_n3A_148 = arith.constant true
        %select_n3A_149 = arith.select %select_n3A_148, %add3A_147, %scan3A_131 : i32
        %eq3A_150 = arith.constant 4 : i32
        %eq3A_151 = arith.cmpi eq, %select_n3A_149, %eq3A_150 : i32
        %select_n3A_152 = arith.constant 0 : i32
        %select_n3A_153 = arith.select %eq3A_151, %select_n3A_152, %select_n3A_149 : i32
        %add3A_154 = arith.addi %select_n3A_153, %mul3A_10 : i32
        %add3A_155 = arith.constant 1 : i32
        %add3A_156 = arith.addi %select_n3A_153, %add3A_155 : i32
        %select_n3A_157 = arith.constant true
        %select_n3A_158 = arith.select %select_n3A_157, %add3A_156, %select_n3A_153 : i32
        %eq3A_159 = arith.constant 4 : i32
        %eq3A_160 = arith.cmpi eq, %select_n3A_158, %eq3A_159 : i32
        %select_n3A_161 = arith.constant 0 : i32
        %select_n3A_162 = arith.select %eq3A_160, %select_n3A_161, %select_n3A_158 : i32
        %add3A_163 = arith.addi %select_n3A_162, %mul3A_10 : i32
        %ne3A = arith.cmpi ne, %add3A_136, %add3A_154 : i32
        %or3A = arith.constant false
        %or3A_164 = arith.ori %or3A, %ne3A : i1
        %or3A_165 = arith.constant false
        %or3A_166 = arith.ori %or3A_164, %or3A_165 : i1
        %ge3A = arith.constant 3 : i32
        %ge3A_167 = arith.cmpi sge, %scan3A_126, %ge3A : i32
        %not3A = arith.constant true
        %not3A_168 = arith.xori %ge3A_167, %not3A : i1
        %and3A = arith.andi %or3A_166, %not3A_168 : i1
        %convert_element_type3A = arith.extui %and3A : i1 to i32
        %cond3A = arith.constant 0 : i32
        %cond3A_169 = arith.cmpi ne, %convert_element_type3A, %cond3A : i32
        scf.if %cond3A_169 {
          "tpu.trace_start"() <{level = 10 : i32, message = "ep_copy_in"}> : () -> ()
          %rem3A_475 = arith.constant 2 : i32
          %rem3A_476 = arith.remui %scan3A_127, %rem3A_475 : i32
          %mul3A_477 = arith.constant 32 : i32
          %mul3A_478 = arith.muli %mul3A_477, %add3A_154 : i32
          %dma_start3A_479 = arith.constant 0 : i32
          %dma_start3A_480 = arith.constant 0 : i32
          %dma_start3A_481 = tpu.memref_slice %run_scoped3A[%rem3A_476, %dma_start3A_479, %dma_start3A_480] : memref<2x32x128xi32, #tpu.memory_space<vmem>> -> memref<1x32x128xi32, #tpu.memory_space<vmem>>
          %dma_start3A_482 = tpu.memref_squeeze %dma_start3A_481 : memref<1x32x128xi32, #tpu.memory_space<vmem>> -> memref<32x128xi32, #tpu.memory_space<vmem>>
          %dma_start3A_483 = arith.constant 0 : i32
          %dma_start3A_484 = tpu.memref_slice %arg2[%mul3A_478, %dma_start3A_483] : memref<4096x128xi32, #tpu.memory_space<hbm>> -> memref<32x128xi32, #tpu.memory_space<hbm>>
          %dma_start3A_485 = tpu.memref_slice %run_scoped3A_11[%rem3A_476] : memref<2x!tpu.dma_semaphore, #tpu.memory_space<semaphore_mem>> -> memref<1x!tpu.dma_semaphore, #tpu.memory_space<semaphore_mem>>
          %dma_start3A_486 = tpu.memref_squeeze %dma_start3A_485 : memref<1x!tpu.dma_semaphore, #tpu.memory_space<semaphore_mem>> -> memref<!tpu.dma_semaphore, #tpu.memory_space<semaphore_mem>>
          %dma_start3A_487 = arith.constant 0 : i32
          %dma_start3A_488 = arith.constant 0 : i32
          %dma_start3A_489 = tpu.memref_slice %run_scoped3A[%rem3A_476, %dma_start3A_487, %dma_start3A_488] : memref<2x32x128xi32, #tpu.memory_space<vmem>> -> memref<1x32x128xi32, #tpu.memory_space<vmem>>
          %dma_start3A_490 = tpu.memref_squeeze %dma_start3A_489 : memref<1x32x128xi32, #tpu.memory_space<vmem>> -> memref<32x128xi32, #tpu.memory_space<vmem>>
          %dma_start3A_491 = arith.constant 0 : i32
          %dma_start3A_492 = tpu.memref_slice %arg2[%mul3A_478, %dma_start3A_491] : memref<4096x128xi32, #tpu.memory_space<hbm>> -> memref<32x128xi32, #tpu.memory_space<hbm>>
          tpu.enqueue_dma source(%dma_start3A_492 : memref<32x128xi32, #tpu.memory_space<hbm>>) target(%dma_start3A_490 : memref<32x128xi32, #tpu.memory_space<vmem>>) target_semaphore(%dma_start3A_486 : memref<!tpu.dma_semaphore, #tpu.memory_space<semaphore_mem>>)
          "tpu.trace_stop"() : () -> ()
        } else {
        }
        %and3A_170 = arith.constant true
        %and3A_171 = arith.andi %and3A, %and3A_170 : i1
        %add3A_172 = arith.constant 1 : i32
        %add3A_173 = arith.addi %scan3A_127, %add3A_172 : i32
        %select_n3A_174 = arith.select %and3A_171, %add3A_173, %scan3A_127 : i32
        %ne3A_175 = arith.cmpi ne, %add3A_136, %add3A_154 : i32
        %or3A_176 = arith.constant false
        %or3A_177 = arith.ori %or3A_176, %ne3A_175 : i1
        %or3A_178 = arith.constant false
        %or3A_179 = arith.ori %or3A_177, %or3A_178 : i1
        %ge3A_180 = arith.constant 3 : i32
        %ge3A_181 = arith.cmpi sge, %scan3A_126, %ge3A_180 : i32
        %not3A_182 = arith.constant true
        %not3A_183 = arith.xori %ge3A_181, %not3A_182 : i1
        %and3A_184 = arith.andi %or3A_179, %not3A_183 : i1
        %ne3A_185 = arith.cmpi ne, %add3A_136, %add3A_145 : i32
        %or3A_186 = arith.constant false
        %or3A_187 = arith.ori %or3A_186, %ne3A_185 : i1
        %or3A_188 = arith.constant false
        %or3A_189 = arith.ori %or3A_187, %or3A_188 : i1
        %or3A_190 = arith.ori %or3A_189, %eq3A_133 : i1
        %convert_element_type3A_191 = arith.extui %or3A_190 : i1 to i32
        %cond3A_192 = arith.constant 0 : i32
        %cond3A_193 = arith.cmpi ne, %convert_element_type3A_191, %cond3A_192 : i32
        scf.if %cond3A_193 {
          "tpu.trace_start"() <{level = 10 : i32, message = "ep_wait_in"}> : () -> ()
          %mul3A_475 = arith.constant 32 : i32
          %mul3A_476 = arith.muli %mul3A_475, %add3A_136 : i32
          %rem3A_477 = arith.constant 2 : i32
          %rem3A_478 = arith.remui %scan3A_128, %rem3A_477 : i32
          %dma_wait3A_479 = arith.constant 0 : i32
          %dma_wait3A_480 = arith.constant 0 : i32
          %dma_wait3A_481 = tpu.memref_slice %run_scoped3A[%rem3A_478, %dma_wait3A_479, %dma_wait3A_480] : memref<2x32x128xi32, #tpu.memory_space<vmem>> -> memref<1x32x128xi32, #tpu.memory_space<vmem>>
          %dma_wait3A_482 = tpu.memref_squeeze %dma_wait3A_481 : memref<1x32x128xi32, #tpu.memory_space<vmem>> -> memref<32x128xi32, #tpu.memory_space<vmem>>
          %dma_wait3A_483 = arith.constant 0 : i32
          %dma_wait3A_484 = tpu.memref_slice %arg2[%mul3A_476, %dma_wait3A_483] : memref<4096x128xi32, #tpu.memory_space<hbm>> -> memref<32x128xi32, #tpu.memory_space<hbm>>
          %dma_wait3A_485 = tpu.memref_slice %run_scoped3A_11[%rem3A_478] : memref<2x!tpu.dma_semaphore, #tpu.memory_space<semaphore_mem>> -> memref<1x!tpu.dma_semaphore, #tpu.memory_space<semaphore_mem>>
          %dma_wait3A_486 = tpu.memref_squeeze %dma_wait3A_485 : memref<1x!tpu.dma_semaphore, #tpu.memory_space<semaphore_mem>> -> memref<!tpu.dma_semaphore, #tpu.memory_space<semaphore_mem>>
          %dma_wait3A_487 = arith.constant 0 : i32
          %dma_wait3A_488 = arith.constant 0 : i32
          %dma_wait3A_489 = tpu.memref_slice %run_scoped3A[%rem3A_478, %dma_wait3A_487, %dma_wait3A_488] : memref<2x32x128xi32, #tpu.memory_space<vmem>> -> memref<1x32x128xi32, #tpu.memory_space<vmem>>
          %dma_wait3A_490 = tpu.memref_squeeze %dma_wait3A_489 : memref<1x32x128xi32, #tpu.memory_space<vmem>> -> memref<32x128xi32, #tpu.memory_space<vmem>>
          %dma_wait3A_491 = arith.constant 0 : i32
          %dma_wait3A_492 = tpu.memref_slice %arg2[%mul3A_476, %dma_wait3A_491] : memref<4096x128xi32, #tpu.memory_space<hbm>> -> memref<32x128xi32, #tpu.memory_space<hbm>>
          tpu.wait_dma2 semaphore(%dma_wait3A_486 : memref<!tpu.dma_semaphore, #tpu.memory_space<semaphore_mem>>) src(%dma_wait3A_492 : memref<32x128xi32, #tpu.memory_space<hbm>>) dst(%dma_wait3A_490 : memref<32x128xi32, #tpu.memory_space<vmem>>)
          "tpu.trace_stop"() : () -> ()
        } else {
        }
        %ne3A_194 = arith.cmpi ne, %add3A_136, %add3A_145 : i32
        %or3A_195 = arith.constant false
        %or3A_196 = arith.ori %or3A_195, %ne3A_194 : i1
        %or3A_197 = arith.constant false
        %or3A_198 = arith.ori %or3A_196, %or3A_197 : i1
        %or3A_199 = arith.ori %or3A_198, %eq3A_133 : i1
        %convert_element_type3A_200 = arith.extui %or3A_199 : i1 to i32
        %cond3A_201 = arith.constant 0 : i32
        %cond3A_202 = arith.cmpi ne, %convert_element_type3A_200, %cond3A_201 : i32
        scf.if %cond3A_202 {
        } else {
        }
        %rem3A_203 = arith.constant 2 : i32
        %rem3A_204 = arith.remui %scan3A_128, %rem3A_203 : i32
        %rem3A_205 = arith.constant 2 : i32
        %rem3A_206 = arith.remui %scan3A_129, %rem3A_205 : i32
        "tpu.trace_start"() <{level = 10 : i32, message = "ep_run_kernel"}> : () -> ()
        %scan3A_207 = arith.constant 0 : i32
        %scan3A_208 = arith.constant 52 : i32
        %scan3A_209 = arith.addi %scan3A_207, %scan3A_208 : i32
        %scan3A_210 = arith.constant 1 : i32
        scf.for %scan3A_475 = %scan3A_207 to %scan3A_209 step %scan3A_210  : i32 {
          %mul3A_476 = arith.constant 16 : i32
          %mul3A_477 = arith.muli %scan3A_475, %mul3A_476 : i32
          %add3A_478 = arith.constant 0 : i32
          %add3A_479 = arith.addi %add3A_478, %mul3A_477 : i32
          %get3A = arith.index_cast %add3A_479 : i32 to index
          %get3A_480 = tpu.vector_load %arg5[%get3A] {strides = array<i32>} : memref<832xi32, #tpu.memory_space<vmem>>, vector<16xi32>,
          %get3A_481 = arith.index_cast %add3A_479 : i32 to index
          %get3A_482 = tpu.vector_load %arg6[%get3A_481] {strides = array<i32>} : memref<832xi32, #tpu.memory_space<vmem>>, vector<16xi32>,
          %gather3A = arith.constant 0 : i32
          %gather3A_483 = arith.constant 0 : i32
          %gather3A_484 = tpu.memref_slice %run_scoped3A[%rem3A_204, %gather3A, %gather3A_483] : memref<2x32x128xi32, #tpu.memory_space<vmem>> -> memref<1x32x128xi32, #tpu.memory_space<vmem>>
          %gather3A_485 = tpu.memref_squeeze %gather3A_484 : memref<1x32x128xi32, #tpu.memory_space<vmem>> -> memref<32x128xi32, #tpu.memory_space<vmem>>
          %gather3A_486 = tpu.vector_load_idx %gather3A_485[%get3A_480, %get3A_482] : memref<32x128xi32, #tpu.memory_space<vmem>>[vector<16xi32>, vector<16xi32>], vector<16xi32>,
          %swap3A = arith.index_cast %add3A_479 : i32 to index
          %swap3A_487 = tpu.vector_load %arg7[%swap3A] {strides = array<i32>} : memref<832xi32, #tpu.memory_space<vmem>>, vector<16xi32>,
          tpu.vector_store %arg7[%swap3A], %gather3A_486 {strides = array<i32>} : memref<832xi32, #tpu.memory_space<vmem>>, vector<16xi32>,
        }
        %scan3A_211 = arith.constant 52 : i32
        %dma_start3A_212 = arith.constant 0 : i32
        %dma_start3A_213 = arith.constant 0 : i32
        %dma_start3A_214 = tpu.memref_slice %run_scoped3A_12[%rem3A_206, %dma_start3A_212, %dma_start3A_213] : memref<2x832x64xf32, #tpu.memory_space<vmem>> -> memref<1x832x64xf32, #tpu.memory_space<vmem>>
        %dma_start3A_215 = tpu.memref_squeeze %dma_start3A_214 : memref<1x832x64xf32, #tpu.memory_space<vmem>> -> memref<832x64xf32, #tpu.memory_space<vmem>>
        %dma_start3A_216 = arith.constant 0 : i32
        %dma_start3A_217 = arith.constant 0 : i32
        %dma_start3A_218 = tpu.memref_slice %dma_start3A_215[%dma_start3A_216, %dma_start3A_217] : memref<832x64xf32, #tpu.memory_space<vmem>> -> memref<104x64xf32, #tpu.memory_space<vmem>>
        %dma_start3A_219 = arith.constant 0 : i32
        %dma_start3A_220 = tpu.memref_slice %arg7[%dma_start3A_219] : memref<832xi32, #tpu.memory_space<vmem>> -> memref<104xi32, #tpu.memory_space<vmem>>
        %dma_start3A_221 = arith.constant 0 : i32
        %dma_start3A_222 = arith.constant 0 : i32
        %dma_start3A_223 = tpu.memref_slice %arg3[%dma_start3A_221, %dma_start3A_222] : memref<26624x64xf32, #tpu.memory_space<hbm>> -> memref<26624x64xf32, #tpu.memory_space<hbm>>
        tpu.enqueue_indirect_dma source(%dma_start3A_223 : memref<26624x64xf32, #tpu.memory_space<hbm>>) target(%dma_start3A_218 : memref<104x64xf32, #tpu.memory_space<vmem>>) offsets(%dma_start3A_220 : memref<104xi32, #tpu.memory_space<vmem>>) semaphore(%arg8 : memref<!tpu.dma_semaphore, #tpu.memory_space<semaphore_mem>>)
        %dma_start3A_224 = arith.constant 0 : i32
        %dma_start3A_225 = arith.constant 0 : i32
        %dma_start3A_226 = tpu.memref_slice %run_scoped3A_12[%rem3A_206, %dma_start3A_224, %dma_start3A_225] : memref<2x832x64xf32, #tpu.memory_space<vmem>> -> memref<1x832x64xf32, #tpu.memory_space<vmem>>
        %dma_start3A_227 = tpu.memref_squeeze %dma_start3A_226 : memref<1x832x64xf32, #tpu.memory_space<vmem>> -> memref<832x64xf32, #tpu.memory_space<vmem>>
        %dma_start3A_228 = arith.constant 104 : i32
        %dma_start3A_229 = arith.constant 0 : i32
        %dma_start3A_230 = tpu.memref_slice %dma_start3A_227[%dma_start3A_228, %dma_start3A_229] : memref<832x64xf32, #tpu.memory_space<vmem>> -> memref<104x64xf32, #tpu.memory_space<vmem>>
        %dma_start3A_231 = arith.constant 104 : i32
        %dma_start3A_232 = tpu.memref_slice %arg7[%dma_start3A_231] : memref<832xi32, #tpu.memory_space<vmem>> -> memref<104xi32, #tpu.memory_space<vmem>>
        %dma_start3A_233 = arith.constant 0 : i32
        %dma_start3A_234 = arith.constant 0 : i32
        %dma_start3A_235 = tpu.memref_slice %arg3[%dma_start3A_233, %dma_start3A_234] : memref<26624x64xf32, #tpu.memory_space<hbm>> -> memref<26624x64xf32, #tpu.memory_space<hbm>>
        tpu.enqueue_indirect_dma source(%dma_start3A_235 : memref<26624x64xf32, #tpu.memory_space<hbm>>) target(%dma_start3A_230 : memref<104x64xf32, #tpu.memory_space<vmem>>) offsets(%dma_start3A_232 : memref<104xi32, #tpu.memory_space<vmem>>) semaphore(%arg8 : memref<!tpu.dma_semaphore, #tpu.memory_space<semaphore_mem>>)
        %dma_start3A_236 = arith.constant 0 : i32
        %dma_start3A_237 = arith.constant 0 : i32
        %dma_start3A_238 = tpu.memref_slice %run_scoped3A_12[%rem3A_206, %dma_start3A_236, %dma_start3A_237] : memref<2x832x64xf32, #tpu.memory_space<vmem>> -> memref<1x832x64xf32, #tpu.memory_space<vmem>>
        %dma_start3A_239 = tpu.memref_squeeze %dma_start3A_238 : memref<1x832x64xf32, #tpu.memory_space<vmem>> -> memref<832x64xf32, #tpu.memory_space<vmem>>
        %dma_start3A_240 = arith.constant 208 : i32
        %dma_start3A_241 = arith.constant 0 : i32
        %dma_start3A_242 = tpu.memref_slice %dma_start3A_239[%dma_start3A_240, %dma_start3A_241] : memref<832x64xf32, #tpu.memory_space<vmem>> -> memref<104x64xf32, #tpu.memory_space<vmem>>
        %dma_start3A_243 = arith.constant 208 : i32
        %dma_start3A_244 = tpu.memref_slice %arg7[%dma_start3A_243] : memref<832xi32, #tpu.memory_space<vmem>> -> memref<104xi32, #tpu.memory_space<vmem>>
        %dma_start3A_245 = arith.constant 0 : i32
        %dma_start3A_246 = arith.constant 0 : i32
        %dma_start3A_247 = tpu.memref_slice %arg3[%dma_start3A_245, %dma_start3A_246] : memref<26624x64xf32, #tpu.memory_space<hbm>> -> memref<26624x64xf32, #tpu.memory_space<hbm>>
        tpu.enqueue_indirect_dma source(%dma_start3A_247 : memref<26624x64xf32, #tpu.memory_space<hbm>>) target(%dma_start3A_242 : memref<104x64xf32, #tpu.memory_space<vmem>>) offsets(%dma_start3A_244 : memref<104xi32, #tpu.memory_space<vmem>>) semaphore(%arg8 : memref<!tpu.dma_semaphore, #tpu.memory_space<semaphore_mem>>)
        %dma_start3A_248 = arith.constant 0 : i32
        %dma_start3A_249 = arith.constant 0 : i32
        %dma_start3A_250 = tpu.memref_slice %run_scoped3A_12[%rem3A_206, %dma_start3A_248, %dma_start3A_249] : memref<2x832x64xf32, #tpu.memory_space<vmem>> -> memref<1x832x64xf32, #tpu.memory_space<vmem>>
        %dma_start3A_251 = tpu.memref_squeeze %dma_start3A_250 : memref<1x832x64xf32, #tpu.memory_space<vmem>> -> memref<832x64xf32, #tpu.memory_space<vmem>>
        %dma_start3A_252 = arith.constant 312 : i32
        %dma_start3A_253 = arith.constant 0 : i32
        %dma_start3A_254 = tpu.memref_slice %dma_start3A_251[%dma_start3A_252, %dma_start3A_253] : memref<832x64xf32, #tpu.memory_space<vmem>> -> memref<104x64xf32, #tpu.memory_space<vmem>>
        %dma_start3A_255 = arith.constant 312 : i32
        %dma_start3A_256 = tpu.memref_slice %arg7[%dma_start3A_255] : memref<832xi32, #tpu.memory_space<vmem>> -> memref<104xi32, #tpu.memory_space<vmem>>
        %dma_start3A_257 = arith.constant 0 : i32
        %dma_start3A_258 = arith.constant 0 : i32
        %dma_start3A_259 = tpu.memref_slice %arg3[%dma_start3A_257, %dma_start3A_258] : memref<26624x64xf32, #tpu.memory_space<hbm>> -> memref<26624x64xf32, #tpu.memory_space<hbm>>
        tpu.enqueue_indirect_dma source(%dma_start3A_259 : memref<26624x64xf32, #tpu.memory_space<hbm>>) target(%dma_start3A_254 : memref<104x64xf32, #tpu.memory_space<vmem>>) offsets(%dma_start3A_256 : memref<104xi32, #tpu.memory_space<vmem>>) semaphore(%arg8 : memref<!tpu.dma_semaphore, #tpu.memory_space<semaphore_mem>>)
        %dma_start3A_260 = arith.constant 0 : i32
        %dma_start3A_261 = arith.constant 0 : i32
        %dma_start3A_262 = tpu.memref_slice %run_scoped3A_12[%rem3A_206, %dma_start3A_260, %dma_start3A_261] : memref<2x832x64xf32, #tpu.memory_space<vmem>> -> memref<1x832x64xf32, #tpu.memory_space<vmem>>
        %dma_start3A_263 = tpu.memref_squeeze %dma_start3A_262 : memref<1x832x64xf32, #tpu.memory_space<vmem>> -> memref<832x64xf32, #tpu.memory_space<vmem>>
        %dma_start3A_264 = arith.constant 416 : i32
        %dma_start3A_265 = arith.constant 0 : i32
        %dma_start3A_266 = tpu.memref_slice %dma_start3A_263[%dma_start3A_264, %dma_start3A_265] : memref<832x64xf32, #tpu.memory_space<vmem>> -> memref<104x64xf32, #tpu.memory_space<vmem>>
        %dma_start3A_267 = arith.constant 416 : i32
        %dma_start3A_268 = tpu.memref_slice %arg7[%dma_start3A_267] : memref<832xi32, #tpu.memory_space<vmem>> -> memref<104xi32, #tpu.memory_space<vmem>>
        %dma_start3A_269 = arith.constant 0 : i32
        %dma_start3A_270 = arith.constant 0 : i32
        %dma_start3A_271 = tpu.memref_slice %arg3[%dma_start3A_269, %dma_start3A_270] : memref<26624x64xf32, #tpu.memory_space<hbm>> -> memref<26624x64xf32, #tpu.memory_space<hbm>>
        tpu.enqueue_indirect_dma source(%dma_start3A_271 : memref<26624x64xf32, #tpu.memory_space<hbm>>) target(%dma_start3A_266 : memref<104x64xf32, #tpu.memory_space<vmem>>) offsets(%dma_start3A_268 : memref<104xi32, #tpu.memory_space<vmem>>) semaphore(%arg8 : memref<!tpu.dma_semaphore, #tpu.memory_space<semaphore_mem>>)
        %dma_start3A_272 = arith.constant 0 : i32
        %dma_start3A_273 = arith.constant 0 : i32
        %dma_start3A_274 = tpu.memref_slice %run_scoped3A_12[%rem3A_206, %dma_start3A_272, %dma_start3A_273] : memref<2x832x64xf32, #tpu.memory_space<vmem>> -> memref<1x832x64xf32, #tpu.memory_space<vmem>>
        %dma_start3A_275 = tpu.memref_squeeze %dma_start3A_274 : memref<1x832x64xf32, #tpu.memory_space<vmem>> -> memref<832x64xf32, #tpu.memory_space<vmem>>
        %dma_start3A_276 = arith.constant 520 : i32
        %dma_start3A_277 = arith.constant 0 : i32
        %dma_start3A_278 = tpu.memref_slice %dma_start3A_275[%dma_start3A_276, %dma_start3A_277] : memref<832x64xf32, #tpu.memory_space<vmem>> -> memref<104x64xf32, #tpu.memory_space<vmem>>
        %dma_start3A_279 = arith.constant 520 : i32
        %dma_start3A_280 = tpu.memref_slice %arg7[%dma_start3A_279] : memref<832xi32, #tpu.memory_space<vmem>> -> memref<104xi32, #tpu.memory_space<vmem>>
        %dma_start3A_281 = arith.constant 0 : i32
        %dma_start3A_282 = arith.constant 0 : i32
        %dma_start3A_283 = tpu.memref_slice %arg3[%dma_start3A_281, %dma_start3A_282] : memref<26624x64xf32, #tpu.memory_space<hbm>> -> memref<26624x64xf32, #tpu.memory_space<hbm>>
        tpu.enqueue_indirect_dma source(%dma_start3A_283 : memref<26624x64xf32, #tpu.memory_space<hbm>>) target(%dma_start3A_278 : memref<104x64xf32, #tpu.memory_space<vmem>>) offsets(%dma_start3A_280 : memref<104xi32, #tpu.memory_space<vmem>>) semaphore(%arg8 : memref<!tpu.dma_semaphore, #tpu.memory_space<semaphore_mem>>)
        %dma_start3A_284 = arith.constant 0 : i32
        %dma_start3A_285 = arith.constant 0 : i32
        %dma_start3A_286 = tpu.memref_slice %run_scoped3A_12[%rem3A_206, %dma_start3A_284, %dma_start3A_285] : memref<2x832x64xf32, #tpu.memory_space<vmem>> -> memref<1x832x64xf32, #tpu.memory_space<vmem>>
        %dma_start3A_287 = tpu.memref_squeeze %dma_start3A_286 : memref<1x832x64xf32, #tpu.memory_space<vmem>> -> memref<832x64xf32, #tpu.memory_space<vmem>>
        %dma_start3A_288 = arith.constant 624 : i32
        %dma_start3A_289 = arith.constant 0 : i32
        %dma_start3A_290 = tpu.memref_slice %dma_start3A_287[%dma_start3A_288, %dma_start3A_289] : memref<832x64xf32, #tpu.memory_space<vmem>> -> memref<104x64xf32, #tpu.memory_space<vmem>>
        %dma_start3A_291 = arith.constant 624 : i32
        %dma_start3A_292 = tpu.memref_slice %arg7[%dma_start3A_291] : memref<832xi32, #tpu.memory_space<vmem>> -> memref<104xi32, #tpu.memory_space<vmem>>
        %dma_start3A_293 = arith.constant 0 : i32
        %dma_start3A_294 = arith.constant 0 : i32
        %dma_start3A_295 = tpu.memref_slice %arg3[%dma_start3A_293, %dma_start3A_294] : memref<26624x64xf32, #tpu.memory_space<hbm>> -> memref<26624x64xf32, #tpu.memory_space<hbm>>
        tpu.enqueue_indirect_dma source(%dma_start3A_295 : memref<26624x64xf32, #tpu.memory_space<hbm>>) target(%dma_start3A_290 : memref<104x64xf32, #tpu.memory_space<vmem>>) offsets(%dma_start3A_292 : memref<104xi32, #tpu.memory_space<vmem>>) semaphore(%arg8 : memref<!tpu.dma_semaphore, #tpu.memory_space<semaphore_mem>>)
        %dma_start3A_296 = arith.constant 0 : i32
        %dma_start3A_297 = arith.constant 0 : i32
        %dma_start3A_298 = tpu.memref_slice %run_scoped3A_12[%rem3A_206, %dma_start3A_296, %dma_start3A_297] : memref<2x832x64xf32, #tpu.memory_space<vmem>> -> memref<1x832x64xf32, #tpu.memory_space<vmem>>
        %dma_start3A_299 = tpu.memref_squeeze %dma_start3A_298 : memref<1x832x64xf32, #tpu.memory_space<vmem>> -> memref<832x64xf32, #tpu.memory_space<vmem>>
        %dma_start3A_300 = arith.constant 728 : i32
        %dma_start3A_301 = arith.constant 0 : i32
        %dma_start3A_302 = tpu.memref_slice %dma_start3A_299[%dma_start3A_300, %dma_start3A_301] : memref<832x64xf32, #tpu.memory_space<vmem>> -> memref<104x64xf32, #tpu.memory_space<vmem>>
        %dma_start3A_303 = arith.constant 728 : i32
        %dma_start3A_304 = tpu.memref_slice %arg7[%dma_start3A_303] : memref<832xi32, #tpu.memory_space<vmem>> -> memref<104xi32, #tpu.memory_space<vmem>>
        %dma_start3A_305 = arith.constant 0 : i32
        %dma_start3A_306 = arith.constant 0 : i32
        %dma_start3A_307 = tpu.memref_slice %arg3[%dma_start3A_305, %dma_start3A_306] : memref<26624x64xf32, #tpu.memory_space<hbm>> -> memref<26624x64xf32, #tpu.memory_space<hbm>>
        tpu.enqueue_indirect_dma source(%dma_start3A_307 : memref<26624x64xf32, #tpu.memory_space<hbm>>) target(%dma_start3A_302 : memref<104x64xf32, #tpu.memory_space<vmem>>) offsets(%dma_start3A_304 : memref<104xi32, #tpu.memory_space<vmem>>) semaphore(%arg8 : memref<!tpu.dma_semaphore, #tpu.memory_space<semaphore_mem>>)
        %dma_wait3A_308 = arith.constant 0 : i32
        %dma_wait3A_309 = arith.constant 0 : i32
        %dma_wait3A_310 = tpu.memref_slice %run_scoped3A_12[%rem3A_206, %dma_wait3A_308, %dma_wait3A_309] : memref<2x832x64xf32, #tpu.memory_space<vmem>> -> memref<1x832x64xf32, #tpu.memory_space<vmem>>
        %dma_wait3A_311 = tpu.memref_squeeze %dma_wait3A_310 : memref<1x832x64xf32, #tpu.memory_space<vmem>> -> memref<832x64xf32, #tpu.memory_space<vmem>>
        %dma_wait3A_312 = arith.constant 0 : i32
        %dma_wait3A_313 = arith.constant 0 : i32
        %dma_wait3A_314 = tpu.memref_slice %dma_wait3A_311[%dma_wait3A_312, %dma_wait3A_313] : memref<832x64xf32, #tpu.memory_space<vmem>> -> memref<104x64xf32, #tpu.memory_space<vmem>>
        %dma_wait3A_315 = arith.constant 0 : i32
        %dma_wait3A_316 = tpu.memref_slice %arg7[%dma_wait3A_315] : memref<832xi32, #tpu.memory_space<vmem>> -> memref<104xi32, #tpu.memory_space<vmem>>
        %dma_wait3A_317 = arith.constant 0 : i32
        %dma_wait3A_318 = arith.constant 0 : i32
        %dma_wait3A_319 = tpu.memref_slice %arg3[%dma_wait3A_317, %dma_wait3A_318] : memref<26624x64xf32, #tpu.memory_space<hbm>> -> memref<26624x64xf32, #tpu.memory_space<hbm>>
        tpu.wait_indirect_dma semaphore(%arg8 : memref<!tpu.dma_semaphore, #tpu.memory_space<semaphore_mem>>) src(%dma_wait3A_319 : memref<26624x64xf32, #tpu.memory_space<hbm>>) dst(%dma_wait3A_314 : memref<104x64xf32, #tpu.memory_space<vmem>>)
        %dma_wait3A_320 = arith.constant 0 : i32
        %dma_wait3A_321 = arith.constant 0 : i32
        %dma_wait3A_322 = tpu.memref_slice %run_scoped3A_12[%rem3A_206, %dma_wait3A_320, %dma_wait3A_321] : memref<2x832x64xf32, #tpu.memory_space<vmem>> -> memref<1x832x64xf32, #tpu.memory_space<vmem>>
        %dma_wait3A_323 = tpu.memref_squeeze %dma_wait3A_322 : memref<1x832x64xf32, #tpu.memory_space<vmem>> -> memref<832x64xf32, #tpu.memory_space<vmem>>
        %dma_wait3A_324 = arith.constant 104 : i32
        %dma_wait3A_325 = arith.constant 0 : i32
        %dma_wait3A_326 = tpu.memref_slice %dma_wait3A_323[%dma_wait3A_324, %dma_wait3A_325] : memref<832x64xf32, #tpu.memory_space<vmem>> -> memref<104x64xf32, #tpu.memory_space<vmem>>
        %dma_wait3A_327 = arith.constant 104 : i32
        %dma_wait3A_328 = tpu.memref_slice %arg7[%dma_wait3A_327] : memref<832xi32, #tpu.memory_space<vmem>> -> memref<104xi32, #tpu.memory_space<vmem>>
        %dma_wait3A_329 = arith.constant 0 : i32
        %dma_wait3A_330 = arith.constant 0 : i32
        %dma_wait3A_331 = tpu.memref_slice %arg3[%dma_wait3A_329, %dma_wait3A_330] : memref<26624x64xf32, #tpu.memory_space<hbm>> -> memref<26624x64xf32, #tpu.memory_space<hbm>>
        tpu.wait_indirect_dma semaphore(%arg8 : memref<!tpu.dma_semaphore, #tpu.memory_space<semaphore_mem>>) src(%dma_wait3A_331 : memref<26624x64xf32, #tpu.memory_space<hbm>>) dst(%dma_wait3A_326 : memref<104x64xf32, #tpu.memory_space<vmem>>)
        %dma_wait3A_332 = arith.constant 0 : i32
        %dma_wait3A_333 = arith.constant 0 : i32
        %dma_wait3A_334 = tpu.memref_slice %run_scoped3A_12[%rem3A_206, %dma_wait3A_332, %dma_wait3A_333] : memref<2x832x64xf32, #tpu.memory_space<vmem>> -> memref<1x832x64xf32, #tpu.memory_space<vmem>>
        %dma_wait3A_335 = tpu.memref_squeeze %dma_wait3A_334 : memref<1x832x64xf32, #tpu.memory_space<vmem>> -> memref<832x64xf32, #tpu.memory_space<vmem>>
        %dma_wait3A_336 = arith.constant 208 : i32
        %dma_wait3A_337 = arith.constant 0 : i32
        %dma_wait3A_338 = tpu.memref_slice %dma_wait3A_335[%dma_wait3A_336, %dma_wait3A_337] : memref<832x64xf32, #tpu.memory_space<vmem>> -> memref<104x64xf32, #tpu.memory_space<vmem>>
        %dma_wait3A_339 = arith.constant 208 : i32
        %dma_wait3A_340 = tpu.memref_slice %arg7[%dma_wait3A_339] : memref<832xi32, #tpu.memory_space<vmem>> -> memref<104xi32, #tpu.memory_space<vmem>>
        %dma_wait3A_341 = arith.constant 0 : i32
        %dma_wait3A_342 = arith.constant 0 : i32
        %dma_wait3A_343 = tpu.memref_slice %arg3[%dma_wait3A_341, %dma_wait3A_342] : memref<26624x64xf32, #tpu.memory_space<hbm>> -> memref<26624x64xf32, #tpu.memory_space<hbm>>
        tpu.wait_indirect_dma semaphore(%arg8 : memref<!tpu.dma_semaphore, #tpu.memory_space<semaphore_mem>>) src(%dma_wait3A_343 : memref<26624x64xf32, #tpu.memory_space<hbm>>) dst(%dma_wait3A_338 : memref<104x64xf32, #tpu.memory_space<vmem>>)
        %dma_wait3A_344 = arith.constant 0 : i32
        %dma_wait3A_345 = arith.constant 0 : i32
        %dma_wait3A_346 = tpu.memref_slice %run_scoped3A_12[%rem3A_206, %dma_wait3A_344, %dma_wait3A_345] : memref<2x832x64xf32, #tpu.memory_space<vmem>> -> memref<1x832x64xf32, #tpu.memory_space<vmem>>
        %dma_wait3A_347 = tpu.memref_squeeze %dma_wait3A_346 : memref<1x832x64xf32, #tpu.memory_space<vmem>> -> memref<832x64xf32, #tpu.memory_space<vmem>>
        %dma_wait3A_348 = arith.constant 312 : i32
        %dma_wait3A_349 = arith.constant 0 : i32
        %dma_wait3A_350 = tpu.memref_slice %dma_wait3A_347[%dma_wait3A_348, %dma_wait3A_349] : memref<832x64xf32, #tpu.memory_space<vmem>> -> memref<104x64xf32, #tpu.memory_space<vmem>>
        %dma_wait3A_351 = arith.constant 312 : i32
        %dma_wait3A_352 = tpu.memref_slice %arg7[%dma_wait3A_351] : memref<832xi32, #tpu.memory_space<vmem>> -> memref<104xi32, #tpu.memory_space<vmem>>
        %dma_wait3A_353 = arith.constant 0 : i32
        %dma_wait3A_354 = arith.constant 0 : i32
        %dma_wait3A_355 = tpu.memref_slice %arg3[%dma_wait3A_353, %dma_wait3A_354] : memref<26624x64xf32, #tpu.memory_space<hbm>> -> memref<26624x64xf32, #tpu.memory_space<hbm>>
        tpu.wait_indirect_dma semaphore(%arg8 : memref<!tpu.dma_semaphore, #tpu.memory_space<semaphore_mem>>) src(%dma_wait3A_355 : memref<26624x64xf32, #tpu.memory_space<hbm>>) dst(%dma_wait3A_350 : memref<104x64xf32, #tpu.memory_space<vmem>>)
        %dma_wait3A_356 = arith.constant 0 : i32
        %dma_wait3A_357 = arith.constant 0 : i32
        %dma_wait3A_358 = tpu.memref_slice %run_scoped3A_12[%rem3A_206, %dma_wait3A_356, %dma_wait3A_357] : memref<2x832x64xf32, #tpu.memory_space<vmem>> -> memref<1x832x64xf32, #tpu.memory_space<vmem>>
        %dma_wait3A_359 = tpu.memref_squeeze %dma_wait3A_358 : memref<1x832x64xf32, #tpu.memory_space<vmem>> -> memref<832x64xf32, #tpu.memory_space<vmem>>
        %dma_wait3A_360 = arith.constant 416 : i32
        %dma_wait3A_361 = arith.constant 0 : i32
        %dma_wait3A_362 = tpu.memref_slice %dma_wait3A_359[%dma_wait3A_360, %dma_wait3A_361] : memref<832x64xf32, #tpu.memory_space<vmem>> -> memref<104x64xf32, #tpu.memory_space<vmem>>
        %dma_wait3A_363 = arith.constant 416 : i32
        %dma_wait3A_364 = tpu.memref_slice %arg7[%dma_wait3A_363] : memref<832xi32, #tpu.memory_space<vmem>> -> memref<104xi32, #tpu.memory_space<vmem>>
        %dma_wait3A_365 = arith.constant 0 : i32
        %dma_wait3A_366 = arith.constant 0 : i32
        %dma_wait3A_367 = tpu.memref_slice %arg3[%dma_wait3A_365, %dma_wait3A_366] : memref<26624x64xf32, #tpu.memory_space<hbm>> -> memref<26624x64xf32, #tpu.memory_space<hbm>>
        tpu.wait_indirect_dma semaphore(%arg8 : memref<!tpu.dma_semaphore, #tpu.memory_space<semaphore_mem>>) src(%dma_wait3A_367 : memref<26624x64xf32, #tpu.memory_space<hbm>>) dst(%dma_wait3A_362 : memref<104x64xf32, #tpu.memory_space<vmem>>)
        %dma_wait3A_368 = arith.constant 0 : i32
        %dma_wait3A_369 = arith.constant 0 : i32
        %dma_wait3A_370 = tpu.memref_slice %run_scoped3A_12[%rem3A_206, %dma_wait3A_368, %dma_wait3A_369] : memref<2x832x64xf32, #tpu.memory_space<vmem>> -> memref<1x832x64xf32, #tpu.memory_space<vmem>>
        %dma_wait3A_371 = tpu.memref_squeeze %dma_wait3A_370 : memref<1x832x64xf32, #tpu.memory_space<vmem>> -> memref<832x64xf32, #tpu.memory_space<vmem>>
        %dma_wait3A_372 = arith.constant 520 : i32
        %dma_wait3A_373 = arith.constant 0 : i32
        %dma_wait3A_374 = tpu.memref_slice %dma_wait3A_371[%dma_wait3A_372, %dma_wait3A_373] : memref<832x64xf32, #tpu.memory_space<vmem>> -> memref<104x64xf32, #tpu.memory_space<vmem>>
        %dma_wait3A_375 = arith.constant 520 : i32
        %dma_wait3A_376 = tpu.memref_slice %arg7[%dma_wait3A_375] : memref<832xi32, #tpu.memory_space<vmem>> -> memref<104xi32, #tpu.memory_space<vmem>>
        %dma_wait3A_377 = arith.constant 0 : i32
        %dma_wait3A_378 = arith.constant 0 : i32
        %dma_wait3A_379 = tpu.memref_slice %arg3[%dma_wait3A_377, %dma_wait3A_378] : memref<26624x64xf32, #tpu.memory_space<hbm>> -> memref<26624x64xf32, #tpu.memory_space<hbm>>
        tpu.wait_indirect_dma semaphore(%arg8 : memref<!tpu.dma_semaphore, #tpu.memory_space<semaphore_mem>>) src(%dma_wait3A_379 : memref<26624x64xf32, #tpu.memory_space<hbm>>) dst(%dma_wait3A_374 : memref<104x64xf32, #tpu.memory_space<vmem>>)
        %dma_wait3A_380 = arith.constant 0 : i32
        %dma_wait3A_381 = arith.constant 0 : i32
        %dma_wait3A_382 = tpu.memref_slice %run_scoped3A_12[%rem3A_206, %dma_wait3A_380, %dma_wait3A_381] : memref<2x832x64xf32, #tpu.memory_space<vmem>> -> memref<1x832x64xf32, #tpu.memory_space<vmem>>
        %dma_wait3A_383 = tpu.memref_squeeze %dma_wait3A_382 : memref<1x832x64xf32, #tpu.memory_space<vmem>> -> memref<832x64xf32, #tpu.memory_space<vmem>>
        %dma_wait3A_384 = arith.constant 624 : i32
        %dma_wait3A_385 = arith.constant 0 : i32
        %dma_wait3A_386 = tpu.memref_slice %dma_wait3A_383[%dma_wait3A_384, %dma_wait3A_385] : memref<832x64xf32, #tpu.memory_space<vmem>> -> memref<104x64xf32, #tpu.memory_space<vmem>>
        %dma_wait3A_387 = arith.constant 624 : i32
        %dma_wait3A_388 = tpu.memref_slice %arg7[%dma_wait3A_387] : memref<832xi32, #tpu.memory_space<vmem>> -> memref<104xi32, #tpu.memory_space<vmem>>
        %dma_wait3A_389 = arith.constant 0 : i32
        %dma_wait3A_390 = arith.constant 0 : i32
        %dma_wait3A_391 = tpu.memref_slice %arg3[%dma_wait3A_389, %dma_wait3A_390] : memref<26624x64xf32, #tpu.memory_space<hbm>> -> memref<26624x64xf32, #tpu.memory_space<hbm>>
        tpu.wait_indirect_dma semaphore(%arg8 : memref<!tpu.dma_semaphore, #tpu.memory_space<semaphore_mem>>) src(%dma_wait3A_391 : memref<26624x64xf32, #tpu.memory_space<hbm>>) dst(%dma_wait3A_386 : memref<104x64xf32, #tpu.memory_space<vmem>>)
        %dma_wait3A_392 = arith.constant 0 : i32
        %dma_wait3A_393 = arith.constant 0 : i32
        %dma_wait3A_394 = tpu.memref_slice %run_scoped3A_12[%rem3A_206, %dma_wait3A_392, %dma_wait3A_393] : memref<2x832x64xf32, #tpu.memory_space<vmem>> -> memref<1x832x64xf32, #tpu.memory_space<vmem>>
        %dma_wait3A_395 = tpu.memref_squeeze %dma_wait3A_394 : memref<1x832x64xf32, #tpu.memory_space<vmem>> -> memref<832x64xf32, #tpu.memory_space<vmem>>
        %dma_wait3A_396 = arith.constant 728 : i32
        %dma_wait3A_397 = arith.constant 0 : i32
        %dma_wait3A_398 = tpu.memref_slice %dma_wait3A_395[%dma_wait3A_396, %dma_wait3A_397] : memref<832x64xf32, #tpu.memory_space<vmem>> -> memref<104x64xf32, #tpu.memory_space<vmem>>
        %dma_wait3A_399 = arith.constant 728 : i32
        %dma_wait3A_400 = tpu.memref_slice %arg7[%dma_wait3A_399] : memref<832xi32, #tpu.memory_space<vmem>> -> memref<104xi32, #tpu.memory_space<vmem>>
        %dma_wait3A_401 = arith.constant 0 : i32
        %dma_wait3A_402 = arith.constant 0 : i32
        %dma_wait3A_403 = tpu.memref_slice %arg3[%dma_wait3A_401, %dma_wait3A_402] : memref<26624x64xf32, #tpu.memory_space<hbm>> -> memref<26624x64xf32, #tpu.memory_space<hbm>>
        tpu.wait_indirect_dma semaphore(%arg8 : memref<!tpu.dma_semaphore, #tpu.memory_space<semaphore_mem>>) src(%dma_wait3A_403 : memref<26624x64xf32, #tpu.memory_space<hbm>>) dst(%dma_wait3A_398 : memref<104x64xf32, #tpu.memory_space<vmem>>)
        "tpu.trace_stop"() : () -> ()
        %ne3A_404 = arith.cmpi ne, %add3A_136, %add3A_154 : i32
        %or3A_405 = arith.constant false
        %or3A_406 = arith.ori %or3A_405, %ne3A_404 : i1
        %or3A_407 = arith.constant false
        %or3A_408 = arith.ori %or3A_406, %or3A_407 : i1
        %or3A_409 = arith.ori %or3A_408, %eq3A_135 : i1
        %convert_element_type3A_410 = arith.extui %or3A_409 : i1 to i32
        %cond3A_411 = arith.constant 0 : i32
        %cond3A_412 = arith.cmpi ne, %convert_element_type3A_410, %cond3A_411 : i32
        scf.if %cond3A_412 {
        } else {
        }
        %and3A_413 = arith.constant false
        %and3A_414 = arith.andi %or3A_409, %and3A_413 : i1
        %ne3A_415 = arith.cmpi ne, %add3A_136, %add3A_154 : i32
        %or3A_416 = arith.constant false
        %or3A_417 = arith.ori %or3A_416, %ne3A_415 : i1
        %or3A_418 = arith.constant false
        %or3A_419 = arith.ori %or3A_417, %or3A_418 : i1
        %or3A_420 = arith.ori %or3A_419, %eq3A_135 : i1
        %convert_element_type3A_421 = arith.extui %or3A_420 : i1 to i32
        %cond3A_422 = arith.constant 0 : i32
        %cond3A_423 = arith.cmpi ne, %convert_element_type3A_421, %cond3A_422 : i32
        scf.if %cond3A_423 {
          "tpu.trace_start"() <{level = 10 : i32, message = "ep_copy_out"}> : () -> ()
          %rem3A_475 = arith.constant 2 : i32
          %rem3A_476 = arith.remui %scan3A_129, %rem3A_475 : i32
          %mul3A_477 = arith.constant 832 : i32
          %mul3A_478 = arith.muli %mul3A_477, %add3A_136 : i32
          %dma_start3A_479 = arith.constant 0 : i32
          %dma_start3A_480 = arith.constant 0 : i32
          %dma_start3A_481 = tpu.memref_slice %run_scoped3A_12[%rem3A_476, %dma_start3A_479, %dma_start3A_480] : memref<2x832x64xf32, #tpu.memory_space<vmem>> -> memref<1x832x64xf32, #tpu.memory_space<vmem>>
          %dma_start3A_482 = tpu.memref_squeeze %dma_start3A_481 : memref<1x832x64xf32, #tpu.memory_space<vmem>> -> memref<832x64xf32, #tpu.memory_space<vmem>>
          %dma_start3A_483 = arith.constant 0 : i32
          %dma_start3A_484 = tpu.memref_slice %arg4[%mul3A_478, %dma_start3A_483] : memref<106496x64xf32, #tpu.memory_space<hbm>> -> memref<832x64xf32, #tpu.memory_space<hbm>>
          %dma_start3A_485 = tpu.memref_slice %run_scoped3A_13[%rem3A_476] : memref<2x!tpu.dma_semaphore, #tpu.memory_space<semaphore_mem>> -> memref<1x!tpu.dma_semaphore, #tpu.memory_space<semaphore_mem>>
          %dma_start3A_486 = tpu.memref_squeeze %dma_start3A_485 : memref<1x!tpu.dma_semaphore, #tpu.memory_space<semaphore_mem>> -> memref<!tpu.dma_semaphore, #tpu.memory_space<semaphore_mem>>
          %dma_start3A_487 = arith.constant 0 : i32
          %dma_start3A_488 = tpu.memref_slice %arg4[%mul3A_478, %dma_start3A_487] : memref<106496x64xf32, #tpu.memory_space<hbm>> -> memref<832x64xf32, #tpu.memory_space<hbm>>
          %dma_start3A_489 = arith.constant 0 : i32
          %dma_start3A_490 = arith.constant 0 : i32
          %dma_start3A_491 = tpu.memref_slice %run_scoped3A_12[%rem3A_476, %dma_start3A_489, %dma_start3A_490] : memref<2x832x64xf32, #tpu.memory_space<vmem>> -> memref<1x832x64xf32, #tpu.memory_space<vmem>>
          %dma_start3A_492 = tpu.memref_squeeze %dma_start3A_491 : memref<1x832x64xf32, #tpu.memory_space<vmem>> -> memref<832x64xf32, #tpu.memory_space<vmem>>
          tpu.enqueue_dma source(%dma_start3A_492 : memref<832x64xf32, #tpu.memory_space<vmem>>) target(%dma_start3A_488 : memref<832x64xf32, #tpu.memory_space<hbm>>) target_semaphore(%dma_start3A_486 : memref<!tpu.dma_semaphore, #tpu.memory_space<semaphore_mem>>)
          "tpu.trace_stop"() : () -> ()
        } else {
        }
        %and3A_424 = arith.constant true
        %and3A_425 = arith.andi %or3A_420, %and3A_424 : i1
        %add3A_426 = arith.constant 1 : i32
        %add3A_427 = arith.addi %scan3A_129, %add3A_426 : i32
        %select_n3A_428 = arith.select %and3A_425, %add3A_427, %scan3A_129 : i32
        %ne3A_429 = arith.cmpi ne, %add3A_136, %add3A_145 : i32
        %or3A_430 = arith.constant false
        %or3A_431 = arith.ori %or3A_430, %ne3A_429 : i1
        %or3A_432 = arith.constant false
        %or3A_433 = arith.ori %or3A_431, %or3A_432 : i1
        %not3A_434 = arith.constant true
        %not3A_435 = arith.xori %eq3A_133, %not3A_434 : i1
        %and3A_436 = arith.andi %or3A_433, %not3A_435 : i1
        %convert_element_type3A_437 = arith.extui %and3A_436 : i1 to i32
        %cond3A_438 = arith.constant 0 : i32
        %cond3A_439 = arith.cmpi ne, %convert_element_type3A_437, %cond3A_438 : i32
        scf.if %cond3A_439 {
        } else {
        }
        %and3A_440 = arith.constant false
        %and3A_441 = arith.andi %and3A_436, %and3A_440 : i1
        %ne3A_442 = arith.cmpi ne, %add3A_136, %add3A_145 : i32
        %or3A_443 = arith.constant false
        %or3A_444 = arith.ori %or3A_443, %ne3A_442 : i1
        %or3A_445 = arith.constant false
        %or3A_446 = arith.ori %or3A_444, %or3A_445 : i1
        %not3A_447 = arith.constant true
        %not3A_448 = arith.xori %eq3A_133, %not3A_447 : i1
        %and3A_449 = arith.andi %or3A_446, %not3A_448 : i1
        %convert_element_type3A_450 = arith.extui %and3A_449 : i1 to i32
        %cond3A_451 = arith.constant 0 : i32
        %cond3A_452 = arith.cmpi ne, %convert_element_type3A_450, %cond3A_451 : i32
        scf.if %cond3A_452 {
          "tpu.trace_start"() <{level = 10 : i32, message = "ep_wait_out"}> : () -> ()
          %rem3A_475 = arith.constant 2 : i32
          %rem3A_476 = arith.remui %scan3A_130, %rem3A_475 : i32
          %mul3A_477 = arith.constant 832 : i32
          %mul3A_478 = arith.muli %mul3A_477, %add3A_145 : i32
          %dma_wait3A_479 = arith.constant 0 : i32
          %dma_wait3A_480 = arith.constant 0 : i32
          %dma_wait3A_481 = tpu.memref_slice %run_scoped3A_12[%rem3A_476, %dma_wait3A_479, %dma_wait3A_480] : memref<2x832x64xf32, #tpu.memory_space<vmem>> -> memref<1x832x64xf32, #tpu.memory_space<vmem>>
          %dma_wait3A_482 = tpu.memref_squeeze %dma_wait3A_481 : memref<1x832x64xf32, #tpu.memory_space<vmem>> -> memref<832x64xf32, #tpu.memory_space<vmem>>
          %dma_wait3A_483 = arith.constant 0 : i32
          %dma_wait3A_484 = tpu.memref_slice %arg4[%mul3A_478, %dma_wait3A_483] : memref<106496x64xf32, #tpu.memory_space<hbm>> -> memref<832x64xf32, #tpu.memory_space<hbm>>
          %dma_wait3A_485 = tpu.memref_slice %run_scoped3A_13[%rem3A_476] : memref<2x!tpu.dma_semaphore, #tpu.memory_space<semaphore_mem>> -> memref<1x!tpu.dma_semaphore, #tpu.memory_space<semaphore_mem>>
          %dma_wait3A_486 = tpu.memref_squeeze %dma_wait3A_485 : memref<1x!tpu.dma_semaphore, #tpu.memory_space<semaphore_mem>> -> memref<!tpu.dma_semaphore, #tpu.memory_space<semaphore_mem>>
          %dma_wait3A_487 = arith.constant 0 : i32
          %dma_wait3A_488 = tpu.memref_slice %arg4[%mul3A_478, %dma_wait3A_487] : memref<106496x64xf32, #tpu.memory_space<hbm>> -> memref<832x64xf32, #tpu.memory_space<hbm>>
          %dma_wait3A_489 = arith.constant 0 : i32
          %dma_wait3A_490 = arith.constant 0 : i32
          %dma_wait3A_491 = tpu.memref_slice %run_scoped3A_12[%rem3A_476, %dma_wait3A_489, %dma_wait3A_490] : memref<2x832x64xf32, #tpu.memory_space<vmem>> -> memref<1x832x64xf32, #tpu.memory_space<vmem>>
          %dma_wait3A_492 = tpu.memref_squeeze %dma_wait3A_491 : memref<1x832x64xf32, #tpu.memory_space<vmem>> -> memref<832x64xf32, #tpu.memory_space<vmem>>
          tpu.wait_dma2 semaphore(%dma_wait3A_486 : memref<!tpu.dma_semaphore, #tpu.memory_space<semaphore_mem>>) src(%dma_wait3A_492 : memref<832x64xf32, #tpu.memory_space<vmem>>) dst(%dma_wait3A_488 : memref<832x64xf32, #tpu.memory_space<hbm>>)
          "tpu.trace_stop"() : () -> ()
        } else {
        }
        %and3A_453 = arith.constant true
        %and3A_454 = arith.andi %and3A_449, %and3A_453 : i1
        %add3A_455 = arith.constant 1 : i32
        %add3A_456 = arith.addi %scan3A_130, %add3A_455 : i32
        %select_n3A_457 = arith.select %and3A_454, %add3A_456, %scan3A_130 : i32
        %ne3A_458 = arith.cmpi ne, %add3A_136, %add3A_154 : i32
        %or3A_459 = arith.constant false
        %or3A_460 = arith.ori %or3A_459, %ne3A_458 : i1
        %or3A_461 = arith.constant false
        %or3A_462 = arith.ori %or3A_460, %or3A_461 : i1
        %or3A_463 = arith.ori %or3A_462, %eq3A_135 : i1
        %add3A_464 = arith.constant 1 : i32
        %add3A_465 = arith.addi %scan3A_128, %add3A_464 : i32
        %select_n3A_466 = arith.select %or3A_463, %add3A_465, %scan3A_128 : i32
        %add3A_467 = arith.constant 1 : i32
        %add3A_468 = arith.addi %scan3A_131, %add3A_467 : i32
        %select_n3A_469 = arith.constant true
        %select_n3A_470 = arith.select %select_n3A_469, %add3A_468, %scan3A_131 : i32
        %eq3A_471 = arith.constant 4 : i32
        %eq3A_472 = arith.cmpi eq, %select_n3A_470, %eq3A_471 : i32
        %select_n3A_473 = arith.constant 0 : i32
        %select_n3A_474 = arith.select %eq3A_472, %select_n3A_473, %select_n3A_470 : i32
        scf.yield %select_n3A_174, %select_n3A_466, %select_n3A_428, %select_n3A_457, %select_n3A_474 : i32, i32, i32, i32, i32
      }
      %scan3A_73 = arith.constant 4 : i32
      %sub3A = arith.constant 1 : i32
      %sub3A_74 = arith.subi %scan3A_72#4, %sub3A : i32
      %select_n3A_75 = arith.constant true
      %select_n3A_76 = arith.select %select_n3A_75, %sub3A_74, %scan3A_72#4 : i32
      %eq3A_77 = arith.constant -1 : i32
      %eq3A_78 = arith.cmpi eq, %select_n3A_76, %eq3A_77 : i32
      %select_n3A_79 = arith.constant 3 : i32
      %select_n3A_80 = arith.select %eq3A_78, %select_n3A_79, %select_n3A_76 : i32
      %add3A_81 = arith.addi %select_n3A_80, %mul3A_10 : i32
      %sub3A_82 = arith.constant 1 : i32
      %sub3A_83 = arith.subi %select_n3A_80, %sub3A_82 : i32
      %select_n3A_84 = arith.constant true
      %select_n3A_85 = arith.select %select_n3A_84, %sub3A_83, %select_n3A_80 : i32
      %eq3A_86 = arith.constant -1 : i32
      %eq3A_87 = arith.cmpi eq, %select_n3A_85, %eq3A_86 : i32
      %select_n3A_88 = arith.constant 3 : i32
      %select_n3A_89 = arith.select %eq3A_87, %select_n3A_88, %select_n3A_85 : i32
      %add3A_90 = arith.addi %select_n3A_89, %mul3A_10 : i32
      %add3A_91 = arith.constant 1 : i32
      %add3A_92 = arith.addi %select_n3A_80, %add3A_91 : i32
      %select_n3A_93 = arith.constant true
      %select_n3A_94 = arith.select %select_n3A_93, %add3A_92, %select_n3A_80 : i32
      %eq3A_95 = arith.constant 4 : i32
      %eq3A_96 = arith.cmpi eq, %select_n3A_94, %eq3A_95 : i32
      %select_n3A_97 = arith.constant 0 : i32
      %select_n3A_98 = arith.select %eq3A_96, %select_n3A_97, %select_n3A_94 : i32
      %add3A_99 = arith.addi %select_n3A_98, %mul3A_10 : i32
      %add3A_100 = arith.constant 1 : i32
      %add3A_101 = arith.addi %select_n3A_98, %add3A_100 : i32
      %select_n3A_102 = arith.constant true
      %select_n3A_103 = arith.select %select_n3A_102, %add3A_101, %select_n3A_98 : i32
      %eq3A_104 = arith.constant 4 : i32
      %eq3A_105 = arith.cmpi eq, %select_n3A_103, %eq3A_104 : i32
      %select_n3A_106 = arith.constant 0 : i32
      %select_n3A_107 = arith.select %eq3A_105, %select_n3A_106, %select_n3A_103 : i32
      %add3A_108 = arith.addi %select_n3A_107, %mul3A_10 : i32
      "tpu.trace_start"() <{level = 10 : i32, message = "ep_finalize"}> : () -> ()
      %rem3A_109 = arith.constant 2 : i32
      %rem3A_110 = arith.remui %scan3A_72#3, %rem3A_109 : i32
      %mul3A_111 = arith.constant 832 : i32
      %mul3A_112 = arith.muli %mul3A_111, %add3A_81 : i32
      %dma_wait3A = arith.constant 0 : i32
      %dma_wait3A_113 = arith.constant 0 : i32
      %dma_wait3A_114 = tpu.memref_slice %run_scoped3A_12[%rem3A_110, %dma_wait3A, %dma_wait3A_113] : memref<2x832x64xf32, #tpu.memory_space<vmem>> -> memref<1x832x64xf32, #tpu.memory_space<vmem>>
      %dma_wait3A_115 = tpu.memref_squeeze %dma_wait3A_114 : memref<1x832x64xf32, #tpu.memory_space<vmem>> -> memref<832x64xf32, #tpu.memory_space<vmem>>
      %dma_wait3A_116 = arith.constant 0 : i32
      %dma_wait3A_117 = tpu.memref_slice %arg4[%mul3A_112, %dma_wait3A_116] : memref<106496x64xf32, #tpu.memory_space<hbm>> -> memref<832x64xf32, #tpu.memory_space<hbm>>
      %dma_wait3A_118 = tpu.memref_slice %run_scoped3A_13[%rem3A_110] : memref<2x!tpu.dma_semaphore, #tpu.memory_space<semaphore_mem>> -> memref<1x!tpu.dma_semaphore, #tpu.memory_space<semaphore_mem>>
      %dma_wait3A_119 = tpu.memref_squeeze %dma_wait3A_118 : memref<1x!tpu.dma_semaphore, #tpu.memory_space<semaphore_mem>> -> memref<!tpu.dma_semaphore, #tpu.memory_space<semaphore_mem>>
      %dma_wait3A_120 = arith.constant 0 : i32
      %dma_wait3A_121 = tpu.memref_slice %arg4[%mul3A_112, %dma_wait3A_120] : memref<106496x64xf32, #tpu.memory_space<hbm>> -> memref<832x64xf32, #tpu.memory_space<hbm>>
      %dma_wait3A_122 = arith.constant 0 : i32
      %dma_wait3A_123 = arith.constant 0 : i32
      %dma_wait3A_124 = tpu.memref_slice %run_scoped3A_12[%rem3A_110, %dma_wait3A_122, %dma_wait3A_123] : memref<2x832x64xf32, #tpu.memory_space<vmem>> -> memref<1x832x64xf32, #tpu.memory_space<vmem>>
      %dma_wait3A_125 = tpu.memref_squeeze %dma_wait3A_124 : memref<1x832x64xf32, #tpu.memory_space<vmem>> -> memref<832x64xf32, #tpu.memory_space<vmem>>
      tpu.wait_dma2 semaphore(%dma_wait3A_119 : memref<!tpu.dma_semaphore, #tpu.memory_space<semaphore_mem>>) src(%dma_wait3A_125 : memref<832x64xf32, #tpu.memory_space<vmem>>) dst(%dma_wait3A_121 : memref<832x64xf32, #tpu.memory_space<hbm>>)
      "tpu.trace_stop"() : () -> ()
      tpu.yield
    }) : () -> ()
    return
  }
}

module attributes {stable_mosaic.version = 14 : i64} {
  func.func @_pad_idx_body(%arg0: i32, %arg1: memref<512x26xi32, #tpu.memory_space<vmem>>, %arg2: memref<512x128xi32, #tpu.memory_space<vmem>>) attributes {dimension_semantics = [#tpu.dimension_semantics<arbitrary>], iteration_bounds = array<i64: 8>, scalar_prefetch = 0 : i64, scratch_operands = 0 : i64, tpu.core_type = #tpu.core_type<tc>, window_params = [{transform_indices = @transform_0, window_bounds = array<i64: 512, 26>}, {transform_indices = @transform_1, window_bounds = array<i64: 512, 128>}]} {
    %iota3A = tpu.iota {dimensions = array<i32: 1>} : vector<512x26xi32>
    %get3A = arith.constant 0 : index
    %get3A_0 = arith.constant 0 : index
    %get3A_1 = vector.load %arg1[%get3A, %get3A_0] : memref<512x26xi32, #tpu.memory_space<vmem>>, vector<512x26xi32>
    %mul3A = arith.constant 1024 : i32
    %mul3A_2 = vector.broadcast %mul3A : i32 to vector<512x26xi32>
    %mul3A_3 = arith.muli %iota3A, %mul3A_2 : vector<512x26xi32>
    %add3A = arith.addi %get3A_1, %mul3A_3 : vector<512x26xi32>
    %swap3A = arith.constant 0 : index
    %swap3A_4 = arith.constant 0 : index
    %swap3A_5 = vector.load %arg2[%swap3A, %swap3A_4] : memref<512x128xi32, #tpu.memory_space<vmem>>, vector<512x26xi32>
    tpu.vector_store %arg2[%swap3A, %swap3A_4], %add3A {strides = array<i32>} : memref<512x128xi32, #tpu.memory_space<vmem>>, vector<512x26xi32>,
    return
  }
  func.func @transform_0(%arg0: i32) -> (i32, i32) {
    %c0_i32 = arith.constant 0 : i32
    %c0_i32_0 = arith.constant 0 : i32
    return %arg0, %c0_i32 : i32, i32
  }
  func.func @transform_1(%arg0: i32) -> (i32, i32) {
    %c0_i32 = arith.constant 0 : i32
    %c0_i32_0 = arith.constant 0 : i32
    return %arg0, %c0_i32 : i32, i32
  }
}

module attributes {stable_mosaic.version = 14 : i64} {
  func.func @_combine_body(%arg0: i32, %arg1: memref<13x1001x64xf32, #tpu.memory_space<vmem>>, %arg2: memref<13x1x64xf32, #tpu.memory_space<vmem>>, %arg3: memref<13312x64xf32, #tpu.memory_space<vmem>>) attributes {dimension_semantics = [#tpu.dimension_semantics<arbitrary>], iteration_bounds = array<i64: 2>, scalar_prefetch = 0 : i64, scratch_operands = 0 : i64, tpu.core_type = #tpu.core_type<tc>, window_params = [{transform_indices = @transform_0, window_bounds = array<i64: 13, 1001, 64>}, {transform_indices = @transform_1, window_bounds = array<i64: 13, 1, 64>}, {transform_indices = @transform_2, window_bounds = array<i64: 13312, 64>}]} {
    %get3A = arith.constant 0 : index
    %get3A_0 = arith.constant 0 : index
    %get3A_1 = arith.constant 0 : index
    %get3A_2 = vector.load %arg1[%get3A, %get3A_0, %get3A_1] : memref<13x1001x64xf32, #tpu.memory_space<vmem>>, vector<1x1001x64xf32>
    %get3A_3 = vector.shape_cast %get3A_2 : vector<1x1001x64xf32> to vector<1001x64xf32>
    %get3A_4 = arith.constant 0 : index
    %get3A_5 = arith.constant 0 : index
    %get3A_6 = arith.constant 0 : index
    %get3A_7 = vector.load %arg2[%get3A_4, %get3A_5, %get3A_6] : memref<13x1x64xf32, #tpu.memory_space<vmem>>, vector<1x1x64xf32>
    %get3A_8 = vector.shape_cast %get3A_7 : vector<1x1x64xf32> to vector<1x64xf32>
    %add3A = vector.broadcast %get3A_8 : vector<1x64xf32> to vector<1001x64xf32>
    %add3A_9 = arith.addf %get3A_3, %add3A : vector<1001x64xf32>
    %swap3A = arith.constant 0 : index
    %swap3A_10 = arith.constant 0 : index
    %swap3A_11 = vector.load %arg3[%swap3A, %swap3A_10] : memref<13312x64xf32, #tpu.memory_space<vmem>>, vector<1001x64xf32>
    tpu.vector_store %arg3[%swap3A, %swap3A_10], %add3A_9 {strides = array<i32>} : memref<13312x64xf32, #tpu.memory_space<vmem>>, vector<1001x64xf32>,
    %get3A_12 = arith.constant 1 : index
    %get3A_13 = arith.constant 0 : index
    %get3A_14 = arith.constant 0 : index
    %get3A_15 = vector.load %arg1[%get3A_12, %get3A_13, %get3A_14] : memref<13x1001x64xf32, #tpu.memory_space<vmem>>, vector<1x1001x64xf32>
    %get3A_16 = vector.shape_cast %get3A_15 : vector<1x1001x64xf32> to vector<1001x64xf32>
    %get3A_17 = arith.constant 1 : index
    %get3A_18 = arith.constant 0 : index
    %get3A_19 = arith.constant 0 : index
    %get3A_20 = vector.load %arg2[%get3A_17, %get3A_18, %get3A_19] : memref<13x1x64xf32, #tpu.memory_space<vmem>>, vector<1x1x64xf32>
    %get3A_21 = vector.shape_cast %get3A_20 : vector<1x1x64xf32> to vector<1x64xf32>
    %add3A_22 = vector.broadcast %get3A_21 : vector<1x64xf32> to vector<1001x64xf32>
    %add3A_23 = arith.addf %get3A_16, %add3A_22 : vector<1001x64xf32>
    %swap3A_24 = arith.constant 1024 : index
    %swap3A_25 = arith.constant 0 : index
    %swap3A_26 = vector.load %arg3[%swap3A_24, %swap3A_25] : memref<13312x64xf32, #tpu.memory_space<vmem>>, vector<1001x64xf32>
    tpu.vector_store %arg3[%swap3A_24, %swap3A_25], %add3A_23 {strides = array<i32>} : memref<13312x64xf32, #tpu.memory_space<vmem>>, vector<1001x64xf32>,
    %get3A_27 = arith.constant 2 : index
    %get3A_28 = arith.constant 0 : index
    %get3A_29 = arith.constant 0 : index
    %get3A_30 = vector.load %arg1[%get3A_27, %get3A_28, %get3A_29] : memref<13x1001x64xf32, #tpu.memory_space<vmem>>, vector<1x1001x64xf32>
    %get3A_31 = vector.shape_cast %get3A_30 : vector<1x1001x64xf32> to vector<1001x64xf32>
    %get3A_32 = arith.constant 2 : index
    %get3A_33 = arith.constant 0 : index
    %get3A_34 = arith.constant 0 : index
    %get3A_35 = vector.load %arg2[%get3A_32, %get3A_33, %get3A_34] : memref<13x1x64xf32, #tpu.memory_space<vmem>>, vector<1x1x64xf32>
    %get3A_36 = vector.shape_cast %get3A_35 : vector<1x1x64xf32> to vector<1x64xf32>
    %add3A_37 = vector.broadcast %get3A_36 : vector<1x64xf32> to vector<1001x64xf32>
    %add3A_38 = arith.addf %get3A_31, %add3A_37 : vector<1001x64xf32>
    %swap3A_39 = arith.constant 2048 : index
    %swap3A_40 = arith.constant 0 : index
    %swap3A_41 = vector.load %arg3[%swap3A_39, %swap3A_40] : memref<13312x64xf32, #tpu.memory_space<vmem>>, vector<1001x64xf32>
    tpu.vector_store %arg3[%swap3A_39, %swap3A_40], %add3A_38 {strides = array<i32>} : memref<13312x64xf32, #tpu.memory_space<vmem>>, vector<1001x64xf32>,
    %get3A_42 = arith.constant 3 : index
    %get3A_43 = arith.constant 0 : index
    %get3A_44 = arith.constant 0 : index
    %get3A_45 = vector.load %arg1[%get3A_42, %get3A_43, %get3A_44] : memref<13x1001x64xf32, #tpu.memory_space<vmem>>, vector<1x1001x64xf32>
    %get3A_46 = vector.shape_cast %get3A_45 : vector<1x1001x64xf32> to vector<1001x64xf32>
    %get3A_47 = arith.constant 3 : index
    %get3A_48 = arith.constant 0 : index
    %get3A_49 = arith.constant 0 : index
    %get3A_50 = vector.load %arg2[%get3A_47, %get3A_48, %get3A_49] : memref<13x1x64xf32, #tpu.memory_space<vmem>>, vector<1x1x64xf32>
    %get3A_51 = vector.shape_cast %get3A_50 : vector<1x1x64xf32> to vector<1x64xf32>
    %add3A_52 = vector.broadcast %get3A_51 : vector<1x64xf32> to vector<1001x64xf32>
    %add3A_53 = arith.addf %get3A_46, %add3A_52 : vector<1001x64xf32>
    %swap3A_54 = arith.constant 3072 : index
    %swap3A_55 = arith.constant 0 : index
    %swap3A_56 = vector.load %arg3[%swap3A_54, %swap3A_55] : memref<13312x64xf32, #tpu.memory_space<vmem>>, vector<1001x64xf32>
    tpu.vector_store %arg3[%swap3A_54, %swap3A_55], %add3A_53 {strides = array<i32>} : memref<13312x64xf32, #tpu.memory_space<vmem>>, vector<1001x64xf32>,
    %get3A_57 = arith.constant 4 : index
    %get3A_58 = arith.constant 0 : index
    %get3A_59 = arith.constant 0 : index
    %get3A_60 = vector.load %arg1[%get3A_57, %get3A_58, %get3A_59] : memref<13x1001x64xf32, #tpu.memory_space<vmem>>, vector<1x1001x64xf32>
    %get3A_61 = vector.shape_cast %get3A_60 : vector<1x1001x64xf32> to vector<1001x64xf32>
    %get3A_62 = arith.constant 4 : index
    %get3A_63 = arith.constant 0 : index
    %get3A_64 = arith.constant 0 : index
    %get3A_65 = vector.load %arg2[%get3A_62, %get3A_63, %get3A_64] : memref<13x1x64xf32, #tpu.memory_space<vmem>>, vector<1x1x64xf32>
    %get3A_66 = vector.shape_cast %get3A_65 : vector<1x1x64xf32> to vector<1x64xf32>
    %add3A_67 = vector.broadcast %get3A_66 : vector<1x64xf32> to vector<1001x64xf32>
    %add3A_68 = arith.addf %get3A_61, %add3A_67 : vector<1001x64xf32>
    %swap3A_69 = arith.constant 4096 : index
    %swap3A_70 = arith.constant 0 : index
    %swap3A_71 = vector.load %arg3[%swap3A_69, %swap3A_70] : memref<13312x64xf32, #tpu.memory_space<vmem>>, vector<1001x64xf32>
    tpu.vector_store %arg3[%swap3A_69, %swap3A_70], %add3A_68 {strides = array<i32>} : memref<13312x64xf32, #tpu.memory_space<vmem>>, vector<1001x64xf32>,
    %get3A_72 = arith.constant 5 : index
    %get3A_73 = arith.constant 0 : index
    %get3A_74 = arith.constant 0 : index
    %get3A_75 = vector.load %arg1[%get3A_72, %get3A_73, %get3A_74] : memref<13x1001x64xf32, #tpu.memory_space<vmem>>, vector<1x1001x64xf32>
    %get3A_76 = vector.shape_cast %get3A_75 : vector<1x1001x64xf32> to vector<1001x64xf32>
    %get3A_77 = arith.constant 5 : index
    %get3A_78 = arith.constant 0 : index
    %get3A_79 = arith.constant 0 : index
    %get3A_80 = vector.load %arg2[%get3A_77, %get3A_78, %get3A_79] : memref<13x1x64xf32, #tpu.memory_space<vmem>>, vector<1x1x64xf32>
    %get3A_81 = vector.shape_cast %get3A_80 : vector<1x1x64xf32> to vector<1x64xf32>
    %add3A_82 = vector.broadcast %get3A_81 : vector<1x64xf32> to vector<1001x64xf32>
    %add3A_83 = arith.addf %get3A_76, %add3A_82 : vector<1001x64xf32>
    %swap3A_84 = arith.constant 5120 : index
    %swap3A_85 = arith.constant 0 : index
    %swap3A_86 = vector.load %arg3[%swap3A_84, %swap3A_85] : memref<13312x64xf32, #tpu.memory_space<vmem>>, vector<1001x64xf32>
    tpu.vector_store %arg3[%swap3A_84, %swap3A_85], %add3A_83 {strides = array<i32>} : memref<13312x64xf32, #tpu.memory_space<vmem>>, vector<1001x64xf32>,
    %get3A_87 = arith.constant 6 : index
    %get3A_88 = arith.constant 0 : index
    %get3A_89 = arith.constant 0 : index
    %get3A_90 = vector.load %arg1[%get3A_87, %get3A_88, %get3A_89] : memref<13x1001x64xf32, #tpu.memory_space<vmem>>, vector<1x1001x64xf32>
    %get3A_91 = vector.shape_cast %get3A_90 : vector<1x1001x64xf32> to vector<1001x64xf32>
    %get3A_92 = arith.constant 6 : index
    %get3A_93 = arith.constant 0 : index
    %get3A_94 = arith.constant 0 : index
    %get3A_95 = vector.load %arg2[%get3A_92, %get3A_93, %get3A_94] : memref<13x1x64xf32, #tpu.memory_space<vmem>>, vector<1x1x64xf32>
    %get3A_96 = vector.shape_cast %get3A_95 : vector<1x1x64xf32> to vector<1x64xf32>
    %add3A_97 = vector.broadcast %get3A_96 : vector<1x64xf32> to vector<1001x64xf32>
    %add3A_98 = arith.addf %get3A_91, %add3A_97 : vector<1001x64xf32>
    %swap3A_99 = arith.constant 6144 : index
    %swap3A_100 = arith.constant 0 : index
    %swap3A_101 = vector.load %arg3[%swap3A_99, %swap3A_100] : memref<13312x64xf32, #tpu.memory_space<vmem>>, vector<1001x64xf32>
    tpu.vector_store %arg3[%swap3A_99, %swap3A_100], %add3A_98 {strides = array<i32>} : memref<13312x64xf32, #tpu.memory_space<vmem>>, vector<1001x64xf32>,
    %get3A_102 = arith.constant 7 : index
    %get3A_103 = arith.constant 0 : index
    %get3A_104 = arith.constant 0 : index
    %get3A_105 = vector.load %arg1[%get3A_102, %get3A_103, %get3A_104] : memref<13x1001x64xf32, #tpu.memory_space<vmem>>, vector<1x1001x64xf32>
    %get3A_106 = vector.shape_cast %get3A_105 : vector<1x1001x64xf32> to vector<1001x64xf32>
    %get3A_107 = arith.constant 7 : index
    %get3A_108 = arith.constant 0 : index
    %get3A_109 = arith.constant 0 : index
    %get3A_110 = vector.load %arg2[%get3A_107, %get3A_108, %get3A_109] : memref<13x1x64xf32, #tpu.memory_space<vmem>>, vector<1x1x64xf32>
    %get3A_111 = vector.shape_cast %get3A_110 : vector<1x1x64xf32> to vector<1x64xf32>
    %add3A_112 = vector.broadcast %get3A_111 : vector<1x64xf32> to vector<1001x64xf32>
    %add3A_113 = arith.addf %get3A_106, %add3A_112 : vector<1001x64xf32>
    %swap3A_114 = arith.constant 7168 : index
    %swap3A_115 = arith.constant 0 : index
    %swap3A_116 = vector.load %arg3[%swap3A_114, %swap3A_115] : memref<13312x64xf32, #tpu.memory_space<vmem>>, vector<1001x64xf32>
    tpu.vector_store %arg3[%swap3A_114, %swap3A_115], %add3A_113 {strides = array<i32>} : memref<13312x64xf32, #tpu.memory_space<vmem>>, vector<1001x64xf32>,
    %get3A_117 = arith.constant 8 : index
    %get3A_118 = arith.constant 0 : index
    %get3A_119 = arith.constant 0 : index
    %get3A_120 = vector.load %arg1[%get3A_117, %get3A_118, %get3A_119] : memref<13x1001x64xf32, #tpu.memory_space<vmem>>, vector<1x1001x64xf32>
    %get3A_121 = vector.shape_cast %get3A_120 : vector<1x1001x64xf32> to vector<1001x64xf32>
    %get3A_122 = arith.constant 8 : index
    %get3A_123 = arith.constant 0 : index
    %get3A_124 = arith.constant 0 : index
    %get3A_125 = vector.load %arg2[%get3A_122, %get3A_123, %get3A_124] : memref<13x1x64xf32, #tpu.memory_space<vmem>>, vector<1x1x64xf32>
    %get3A_126 = vector.shape_cast %get3A_125 : vector<1x1x64xf32> to vector<1x64xf32>
    %add3A_127 = vector.broadcast %get3A_126 : vector<1x64xf32> to vector<1001x64xf32>
    %add3A_128 = arith.addf %get3A_121, %add3A_127 : vector<1001x64xf32>
    %swap3A_129 = arith.constant 8192 : index
    %swap3A_130 = arith.constant 0 : index
    %swap3A_131 = vector.load %arg3[%swap3A_129, %swap3A_130] : memref<13312x64xf32, #tpu.memory_space<vmem>>, vector<1001x64xf32>
    tpu.vector_store %arg3[%swap3A_129, %swap3A_130], %add3A_128 {strides = array<i32>} : memref<13312x64xf32, #tpu.memory_space<vmem>>, vector<1001x64xf32>,
    %get3A_132 = arith.constant 9 : index
    %get3A_133 = arith.constant 0 : index
    %get3A_134 = arith.constant 0 : index
    %get3A_135 = vector.load %arg1[%get3A_132, %get3A_133, %get3A_134] : memref<13x1001x64xf32, #tpu.memory_space<vmem>>, vector<1x1001x64xf32>
    %get3A_136 = vector.shape_cast %get3A_135 : vector<1x1001x64xf32> to vector<1001x64xf32>
    %get3A_137 = arith.constant 9 : index
    %get3A_138 = arith.constant 0 : index
    %get3A_139 = arith.constant 0 : index
    %get3A_140 = vector.load %arg2[%get3A_137, %get3A_138, %get3A_139] : memref<13x1x64xf32, #tpu.memory_space<vmem>>, vector<1x1x64xf32>
    %get3A_141 = vector.shape_cast %get3A_140 : vector<1x1x64xf32> to vector<1x64xf32>
    %add3A_142 = vector.broadcast %get3A_141 : vector<1x64xf32> to vector<1001x64xf32>
    %add3A_143 = arith.addf %get3A_136, %add3A_142 : vector<1001x64xf32>
    %swap3A_144 = arith.constant 9216 : index
    %swap3A_145 = arith.constant 0 : index
    %swap3A_146 = vector.load %arg3[%swap3A_144, %swap3A_145] : memref<13312x64xf32, #tpu.memory_space<vmem>>, vector<1001x64xf32>
    tpu.vector_store %arg3[%swap3A_144, %swap3A_145], %add3A_143 {strides = array<i32>} : memref<13312x64xf32, #tpu.memory_space<vmem>>, vector<1001x64xf32>,
    %get3A_147 = arith.constant 10 : index
    %get3A_148 = arith.constant 0 : index
    %get3A_149 = arith.constant 0 : index
    %get3A_150 = vector.load %arg1[%get3A_147, %get3A_148, %get3A_149] : memref<13x1001x64xf32, #tpu.memory_space<vmem>>, vector<1x1001x64xf32>
    %get3A_151 = vector.shape_cast %get3A_150 : vector<1x1001x64xf32> to vector<1001x64xf32>
    %get3A_152 = arith.constant 10 : index
    %get3A_153 = arith.constant 0 : index
    %get3A_154 = arith.constant 0 : index
    %get3A_155 = vector.load %arg2[%get3A_152, %get3A_153, %get3A_154] : memref<13x1x64xf32, #tpu.memory_space<vmem>>, vector<1x1x64xf32>
    %get3A_156 = vector.shape_cast %get3A_155 : vector<1x1x64xf32> to vector<1x64xf32>
    %add3A_157 = vector.broadcast %get3A_156 : vector<1x64xf32> to vector<1001x64xf32>
    %add3A_158 = arith.addf %get3A_151, %add3A_157 : vector<1001x64xf32>
    %swap3A_159 = arith.constant 10240 : index
    %swap3A_160 = arith.constant 0 : index
    %swap3A_161 = vector.load %arg3[%swap3A_159, %swap3A_160] : memref<13312x64xf32, #tpu.memory_space<vmem>>, vector<1001x64xf32>
    tpu.vector_store %arg3[%swap3A_159, %swap3A_160], %add3A_158 {strides = array<i32>} : memref<13312x64xf32, #tpu.memory_space<vmem>>, vector<1001x64xf32>,
    %get3A_162 = arith.constant 11 : index
    %get3A_163 = arith.constant 0 : index
    %get3A_164 = arith.constant 0 : index
    %get3A_165 = vector.load %arg1[%get3A_162, %get3A_163, %get3A_164] : memref<13x1001x64xf32, #tpu.memory_space<vmem>>, vector<1x1001x64xf32>
    %get3A_166 = vector.shape_cast %get3A_165 : vector<1x1001x64xf32> to vector<1001x64xf32>
    %get3A_167 = arith.constant 11 : index
    %get3A_168 = arith.constant 0 : index
    %get3A_169 = arith.constant 0 : index
    %get3A_170 = vector.load %arg2[%get3A_167, %get3A_168, %get3A_169] : memref<13x1x64xf32, #tpu.memory_space<vmem>>, vector<1x1x64xf32>
    %get3A_171 = vector.shape_cast %get3A_170 : vector<1x1x64xf32> to vector<1x64xf32>
    %add3A_172 = vector.broadcast %get3A_171 : vector<1x64xf32> to vector<1001x64xf32>
    %add3A_173 = arith.addf %get3A_166, %add3A_172 : vector<1001x64xf32>
    %swap3A_174 = arith.constant 11264 : index
    %swap3A_175 = arith.constant 0 : index
    %swap3A_176 = vector.load %arg3[%swap3A_174, %swap3A_175] : memref<13312x64xf32, #tpu.memory_space<vmem>>, vector<1001x64xf32>
    tpu.vector_store %arg3[%swap3A_174, %swap3A_175], %add3A_173 {strides = array<i32>} : memref<13312x64xf32, #tpu.memory_space<vmem>>, vector<1001x64xf32>,
    %get3A_177 = arith.constant 12 : index
    %get3A_178 = arith.constant 0 : index
    %get3A_179 = arith.constant 0 : index
    %get3A_180 = vector.load %arg1[%get3A_177, %get3A_178, %get3A_179] : memref<13x1001x64xf32, #tpu.memory_space<vmem>>, vector<1x1001x64xf32>
    %get3A_181 = vector.shape_cast %get3A_180 : vector<1x1001x64xf32> to vector<1001x64xf32>
    %get3A_182 = arith.constant 12 : index
    %get3A_183 = arith.constant 0 : index
    %get3A_184 = arith.constant 0 : index
    %get3A_185 = vector.load %arg2[%get3A_182, %get3A_183, %get3A_184] : memref<13x1x64xf32, #tpu.memory_space<vmem>>, vector<1x1x64xf32>
    %get3A_186 = vector.shape_cast %get3A_185 : vector<1x1x64xf32> to vector<1x64xf32>
    %add3A_187 = vector.broadcast %get3A_186 : vector<1x64xf32> to vector<1001x64xf32>
    %add3A_188 = arith.addf %get3A_181, %add3A_187 : vector<1001x64xf32>
    %swap3A_189 = arith.constant 12288 : index
    %swap3A_190 = arith.constant 0 : index
    %swap3A_191 = vector.load %arg3[%swap3A_189, %swap3A_190] : memref<13312x64xf32, #tpu.memory_space<vmem>>, vector<1001x64xf32>
    tpu.vector_store %arg3[%swap3A_189, %swap3A_190], %add3A_188 {strides = array<i32>} : memref<13312x64xf32, #tpu.memory_space<vmem>>, vector<1001x64xf32>,
    return
  }
  func.func @transform_0(%arg0: i32) -> (i32, i32, i32) {
    %c0_i32 = arith.constant 0 : i32
    %c0_i32_0 = arith.constant 0 : i32
    %c0_i32_1 = arith.constant 0 : i32
    return %arg0, %c0_i32, %c0_i32_0 : i32, i32, i32
  }
  func.func @transform_1(%arg0: i32) -> (i32, i32, i32) {
    %c0_i32 = arith.constant 0 : i32
    %c0_i32_0 = arith.constant 0 : i32
    %c0_i32_1 = arith.constant 0 : i32
    return %arg0, %c0_i32, %c0_i32_0 : i32, i32, i32
  }
  func.func @transform_2(%arg0: i32) -> (i32, i32) {
    %c0_i32 = arith.constant 0 : i32
    %c0_i32_0 = arith.constant 0 : i32
    return %arg0, %c0_i32 : i32, i32
  }
}

</mosaic_0001>

<sc_bundles>
// kernel: kernel.5.cloned.1.call-start
scs
__scs_entry_jumppad:
0x0: {  	(pc) =	sbr.rel $0x88, $3  }
0x1: {  	(tag) =	ssettag $0x0;
	lr =	simm.s32 $0x1  }
0x2: {  	[smem:$0x3F9E] =	sst lr;
	_ =	strace $0xD0000000  }
0x3: {  	_ = 	snop  }
0x4: {  	_ = 	snop  }
0x5: {  	_ = 	snop  }
0x6: {  	_ = 	snop  }
0x7: {  	_ = 	snop  }
__scs_overlays_trampoline_lowered:
0x8: {  	[smem:$0x3FAD] =	sst s0  }
0x9: {  	[smem:$0x3FAE] =	sst s1  }
0xa: {  	[smem:$0x3FAF] =	sst s2  }
0xb: {  	[smem:$0x3FB0] =	sst s3  }
0xc: {  	[smem:$0x3FB1] =	sst s4  }
0xd: {  	[smem:$0x3FB2] =	sst s5  }
0xe: {  	[smem:$0x3FB3] =	sst s6  }
0xf: {  	[smem:$0x3FB4] =	sst s7  }
0x10: {  	[smem:$0x3FB5] =	sst s8  }
0x11: {  	[smem:$0x3FB6] =	sst s9;
	s0 =	simm.s32 @!p0 $0x0  }
0x12: {  	s1 =	sld [smem:$0x3F9C];
	s0 =	simm.s32 @p0 $0x1  }
0x13: {  	[smem:$0x3FB7] =	sst s0;
	s0 =	simm.s32 @!p1 $0x0  }
0x14: {  	s2 =	sld [smem:$0x3F9B];
	s0 =	simm.s32 @p1 $0x1  }
0x15: {  	[smem:$0x3FB8] =	sst s0;
	s0 =	simm.s32 @!p2 $0x0  }
0x16: {  	s3 =	sld [smem:$0x3FDB];
	s0 =	simm.s32 @p2 $0x1  }
0x17: {  	s4 =	simm.s32 $0x1BF5;
	[smem:$0x3FBA] =	sst s0  }
0x18: {  	s0 =	sld [smem:$0x3F9D];
	_ =	swait.ge [sflag:s4], $0x0  }
0x19: {  	s7 =	sld [smem:$0x3F9E]  }
0x1a: {  	s8 =	sadd.s32 $0xFFFFE003, lr  }
0x1b: {  	s9 =	sadd.s32 $0xFFFFFEF7, lr;
	s5 =	simm.s32 $0xFFFFFFFF;
	p2 =	slt.u32 s8, $0xFFFFF086  }
0x1c: {  	p1 =	slt.u32 s9, $0xF7A;
	s5 =	simm.s32 @!p2 $0x0  }
0x1d: {  	s5 =	simm.s32 @p1 $0x1;
	p0 =	seq.s32 s7, s2  }
0x1e: {  	s7 =	smul.u32 @!p0 $0xF7A, s2;
	p2 =	seq.s32 @!p0 s5, $0x0  }
0x1f: {  	s9 =	smul.u32 $0xF7A, s1;
	s8 =	simm.s32 @!p0 $0x1BF5;
	p2 =	por !p2, p0  }
0x20: {  	[sflag:s8] =	ssyncset.s32 @!p0 $0xFFFFF086;
	s6 =	sadd.s32 @!p0 s3, s7;
	s7 =	simm.s32 @!p0 $0x108  }
0x21: {  	s3 =	sadd.s32 s3, s9;
	s6 =	sadd.s32 @!p0 $0x88, s6;
	s7 =	simm.s32 @p2 $0x1082  }
0x22: {  	[simem:s7], [sflag:s8] =	dma.local @!p0 [hbm:s6], $0xF7A  }
0x23: {  	s9 =	sor.u32 $0xD0000000, s2;
	s6 =	simm.s32 $0x108;
	_ =	swait.ge @!p0 [sflag:s8], $0x0  }
0x24: {  	s3 =	sadd.s32 $0x88, s3;
	s6 =	simm.s32 @!p1 $0x1082;
	[sflag:s4] =	ssyncset.s32 $0xFFFFF086  }
0x25: {  	[simem:s6], [sflag:s4] =	dma.local [hbm:s3], $0xF7A  }
0x26: {  	[smem:$0x3F9E] =	sst s1;
	(tag) =	ssettag s2;
	_ =	strace s9  }
0x27: {  	s1 =	sld [smem:$0x3FAE]  }
0x28: {  	s2 =	sld [smem:$0x3FAF]  }
0x29: {  	s4 =	sld [smem:$0x3FB1]  }
0x2a: {  	p0 =	seq.s32 s5, $0x0;
	s5 =	sld [smem:$0x3FB2]  }
0x2b: {  	s6 =	sld [smem:$0x3FB3]  }
0x2c: {  	s7 =	sld [smem:$0x3FB4]  }
0x2d: {  	s3 =	simm.s32 $0x108;
	s8 =	sld [smem:$0x3FB5]  }
0x2e: {  	s3 =	simm.s32 @!p0 $0x1082;
	s9 =	sld [smem:$0x3FB6]  }
0x2f: {  	lr =	sadd.s32 s0, s3;
	s0 =	sld [smem:$0x3FAD]  }
0x30: {  	s3 =	sld [smem:$0x3FB0]  }
0x31: {  	[smem:$0x3FB9] =	sst s10  }
0x32: {  	s10 =	sld [smem:$0x3FB7];
	_ =	sdelay $0x3  }
0x33: {  	p0 =	seq.s32 s10, $0x1;
	s10 =	sld [smem:$0x3FB9];
	_ =	sdelay $0x3  }
0x34: {  	[smem:$0x3FB9] =	sst s10  }
0x35: {  	s10 =	sld [smem:$0x3FB8];
	_ =	sdelay $0x3  }
0x36: {  	p1 =	seq.s32 s10, $0x1;
	s10 =	sld [smem:$0x3FB9];
	_ =	sdelay $0x3  }
0x37: {  	[smem:$0x3FB9] =	sst s10  }
0x38: {  	s10 =	sld [smem:$0x3FBA]  }
0x39: {  	_ = 	snop;
	(pc) =	sbr.ind lr, $3  }
0x3a: {  	_ = 	snop  }
0x3b: {  	_ = 	snop  }
0x3c: {  	p2 =	seq.s32 s10, $0x1;
	s10 =	sld [smem:$0x3FB9]  }
0x3d: {  	_ =	shalt  }
0x3e: {  	_ =	shalt  }
0x3f: {  	_ =	shalt  }
0x40: {  	_ =	shalt  }
0x41: {  	_ =	shalt  }
0x42: {  	_ =	shalt  }
0x43: {  	_ =	shalt  }
0x44: {  	_ =	shalt  }
0x45: {  	_ =	shalt  }
0x46: {  	_ =	shalt  }
0x47: {  	_ =	shalt  }
0x48: {  	_ =	shalt  }
0x49: {  	_ =	shalt  }
0x4a: {  	_ =	shalt  }
0x4b: {  	_ =	shalt  }
0x4c: {  	_ =	shalt  }
0x4d: {  	_ =	shalt  }
0x4e: {  	_ =	shalt  }
0x4f: {  	_ =	shalt  }
0x50: {  	_ =	shalt  }
0x51: {  	_ =	shalt  }
0x52: {  	_ =	shalt  }
0x53: {  	_ =	shalt  }
0x54: {  	_ =	shalt  }
0x55: {  	_ =	shalt  }
0x56: {  	_ =	shalt  }
0x57: {  	_ =	shalt  }
0x58: {  	_ =	shalt  }
0x59: {  	_ =	shalt  }
0x5a: {  	_ =	shalt  }
0x5b: {  	_ =	shalt  }
0x5c: {  	_ =	shalt  }
0x5d: {  	_ =	shalt  }
0x5e: {  	_ =	shalt  }
0x5f: {  	_ =	shalt  }
0x60: {  	_ =	shalt  }
0x61: {  	_ =	shalt  }
0x62: {  	_ =	shalt  }
0x63: {  	_ =	shalt  }
0x64: {  	_ =	shalt  }
0x65: {  	_ =	shalt  }
0x66: {  	_ =	shalt  }
0x67: {  	_ =	shalt  }
0x68: {  	_ =	shalt  }
0x69: {  	_ =	shalt  }
0x6a: {  	_ =	shalt  }
0x6b: {  	_ =	shalt  }
0x6c: {  	_ =	shalt  }
0x6d: {  	_ =	shalt  }
0x6e: {  	_ =	shalt  }
0x6f: {  	_ =	shalt  }
0x70: {  	_ =	shalt  }
0x71: {  	_ =	shalt  }
0x72: {  	_ =	shalt  }
0x73: {  	_ =	shalt  }
0x74: {  	_ =	shalt  }
0x75: {  	_ =	shalt  }
0x76: {  	_ =	shalt  }
0x77: {  	_ =	shalt  }
0x78: {  	_ =	shalt  }
0x79: {  	_ =	shalt  }
0x7a: {  	_ =	shalt  }
0x7b: {  	_ =	shalt  }
0x7c: {  	_ =	shalt  }
0x7d: {  	_ =	shalt  }
0x7e: {  	_ =	shalt  }
0x7f: {  	_ =	shalt  }
0x80: {  	_ =	shalt  }
0x81: {  	_ =	shalt  }
0x82: {  	_ =	shalt  }
0x83: {  	_ =	shalt  }
0x84: {  	_ =	shalt  }
0x85: {  	_ =	shalt  }
0x86: {  	_ =	shalt  }
0x87: {  	_ =	shalt  }
.Lfunc_end0:
.L_simem_size_0:
called_computation_lowered:
.L_overlay_start_0:
0x88: {  	s2 =	sld [smem:$0x3FD9]  }
0x89: {  	s3 =	sld [smem:$0x3FFE];
	_ =	sdelay $0x1  }
0x8a: {  	s1 =	srdreg.scid  }
0x8b: {  	s0 =	sand.u32 $0x1, s1  }
0x8c: {  	s17 =	sshll.u32 s0, $0xA;
	s2 =	sadd.s32 s3, s2  }
0x8d: {  	s2 =	sadd.s32 s2, s17  }
0x8e: {  	[smem:$0x3FC5] =	sst s2  }
0x8f: {  	_ = 	snop  }
0x90: {  	s2 =	sld [smem:$0x3FD0];
	(tm) =	ssettm $0x1  }
0x91: {  	s18 =	sld [smem:$0x3FFB];
	_ =	sdelay $0x3  }
0x92: {  	_ =	strace s18  }
0x93: {  	s3 =	sld [smem:$0x3FFC];
	_ =	sdelay $0x3  }
0x94: {  	_ =	strace s3  }
0x95: {  	s3 =	sld [smem:$0x3FFD];
	_ =	sdelay $0x3  }
0x96: {  	_ =	strace s3  }
0x97: {  	_ =	strace $0x8FFFFFFF  }
0x98: {  	s19 =	sld [smem:$0x3FDB];
	_ =	sdelay $0x1  }
0x99: {  	s4 =	simm.s32 $_scs_section_size  }
0x9a: {  	s5 =	simm.s32 $_size__tile_overlayer_lowered;
	s6 =	simm.s32 $_tile_overlayer_lowered  }
0x9b: {  	s22 =	simm.s32 $0x1BFF;
	s21 =	sshll.u32 s6, $0x1;
	s3 =	sadd.s32 s4, s19  }
0x9c: {  	s7 =	simm.s32 $0x0;
	s20 =	sshll.u32 s5, $0x1;
	s5 =	sadd.s32 s21, s3  }
0x9d: {  	[timem:s7], [sflag:s22] =	dma.local [hbm:s5], s20  }
0x9e: {  	_ =	swait.ge [sflag:s22], s20  }
0x9f: {  	s4 =	ssub.s32 $0x0, s20;
	[sflag:s22] =	ssyncset.done $0x0  }
0xa0: {  	[sflag:s22] =	ssyncadd.s32 s4;
	_ =	sdelay $0x1  }
0xa1: {  	s23 =	simm.s32 $0x1B8B  }
0xa2: {  	_ =	swait.ge [sflag:s23], $0x1  }
0xa3: {  	[sflag:s23] =	ssyncset.done $0x0  }
0xa4: {  	s25 =	simm.s32 $0x1B8E;
	s24 =	sld [smem:$0x3FFE];
	[sflag:s23] =	ssyncadd.s32 $0xFFFFFFFF  }
0xa5: {  	s26 =	simm.s32 $execute0_lowered;
	[smem:$0x3FD2] =	sst s25  }
0xa6: {  	s5 =	sshll.u32 s26, $0x1;
	_ =	strace $0x80000046;
	[dreg:$0x1] =	wrdreg $0xFFFFFFFF  }
0xa7: {  	s28 =	simm.s32 $_size_execute0_lowered;
	s3 =	sadd.s32 s3, s5;
	[dreg:$0x0] =	wrdreg $0x0  }
0xa8: {  	s5 =	sshll.u32 s28, $0x1;
	[dreg:$0x2] =	wrdreg s3  }
0xa9: {  	[dreg:$0x3] =	wrdreg s5  }
0xaa: {  	[dreg:$0x4] =	wrdreg $0xC0  }
0xab: {  	_ =	task [dreg:s7], $0x5FFFF  }
0xac: {  	[dreg:$0x1] =	wrdreg $0xFFFFFFFF  }
0xad: {  	[dreg:$0x0] =	wrdreg $0x60  }
0xae: {  	[dreg:$0x2] =	wrdreg s24  }
0xaf: {  	[dreg:$0x3] =	wrdreg s2  }
0xb0: {  	[dreg:$0x4] =	wrdreg $0x9  }
0xb1: {  	_ =	task.clear_ibuf [dreg:s7], $0x5FFFF;
	_ =	strace $0x90000046  }
0xb2: {  	s29 =	simm.s32 $0x9;
	_ =	strace $0x8000004F  }
0xb3: {  	_ =	swait.ge [sflag:s29], $0x1  }
0xb4: {  	[sflag:s29] =	ssyncadd.s32 $0xFFFFFFFF  }
0xb5: {  	_ =	strace $0x9000004F  }
0xb6: {  	_ =	sfence  }
0xb7: {  	s30 =	sld [smem:$0x0];
	_ =	sdelay $0x2  }
0xb8: {  	s31 =	sshll.u32 s1, $0xD;
	s1 =	sshrl.u32 s1, $0x2  }
0xb9: {  	s3 =	sand.u32 $0x4000, s31;
	s1 =	sadd.s32 s1, s30  }
0xba: {  	s0 =	sor.u32 s3, s0;
	s1 =	sshll.u32 s1, $0x11  }
0xbb: {  	s0 =	sor.u32 s1, s0  }
0xbc: {  	s0 =	sadd.s32 $0x8F2B, s0  }
0xbd: {  	[sflag:s0] =	ssyncadd.remote.s32 $0x1  }
0xbe: {  	_ =	sfence.sel $0xFFFF  }
0xbf: {  	[dreg:$0x0] =	wrdreg $0xFFFFFFFF;
	(pc) =	sbr.abs _section_cstart, $3  }
0xc0: {  	[dreg:$0x1] =	wrdreg $0xFFFFFFFF  }
0xc1: {  	_ =	task.clear_ibuf [dreg:s7], $0x2FFFF;
	_ =	strace $0x9FFFFFFF  }
0xc2: {  	(tm) =	ssettm $0x7FFFFFFF  }
0xc3: {  	_ =	shalt  }
tec
execute0_lowered:
.L_overlay_start_1:
0x0: {  	(tag) =	ssettag $0x1  }
0x1: {  	s0 =	rddreg [dreg:$0x0]  }
0x2: {  	s1 =	rddreg [dreg:$0x1];
	s2 =	simm.s32 $0x0;
	s3 =	srdreg.scid  }
0x3: {  	s7 =	stileid.u32;
	s10 =	simm.s32 $0x1;
	s11 =	simm.s32 $0x68  }
0x4: {  	s12 =	simm.s32 $0x680;
	s13 =	simm.s32 $0x6E8;
	s14 =	simm.s32 $0x750  }
0x5: {  	s15 =	simm.s32 $0x7B8;
	s16 =	simm.s32 $0x820;
	s17 =	simm.s32 $0x888  }
0x6: {  	s18 =	simm.s32 $0x8F0;
	s19 =	simm.s32 $0x958;
	s20 =	simm.s32 $0x5  }
0x7: {  	s21 =	simm.s32 $0x0;
	[smem:$0x7FF] =	sst s2;
	s3 =	sand.u32 $0x1, s3  }
0x8: {  	s4 =	sadd.s32 $0x600, s0;
	s6 =	ssub.s32 $0x2, s3;
	s3 =	sshll.u32 s3, $0x4  }
0x9: {  	s5 =	sadd.s32 $0x10600, s0;
	s31 =	sshrl.u32 s6, $0x1;
	s3 =	sor.u32 s7, s3  }
0xa: {  	s0 =	ssub.s32 s6, s31;
	s6 =	sshll.u32 s3, $0x2;
	s3 =	sshll.u32 s3, $0xB  }
0xb: {  	v0 =	vlaneseq.u32;
	v1 =	vimm.s32 $0x0;
	_ =	strace $0x80000047;
	s7 =	sadd.s32 s4, s3;
	s8 =	smax.u32 s0, $0x1  }
.LBB2_1:
0xc: {  	v2 =	vor.u32 s2, v0  }
0xd: {  	v3 =	vmulhi.u32 $0x4EC4EC4F, v2;
	_ =	sdelay $0x1  }
0xe: {  	v5 =	vshrl.u32 v3, $0x3  }
0xf: {  	v3 =	vmul.u32 $0xFFFFFFE6, v5  }
0x10: {  	s3 =	simm.s32 $0x10  }
0x11: {  	v4 =	vmov s2;
	v2 =	vadd.s32 v2, v3;
	v3 =	vor.u32 s3, v0  }
0x12: {  	vm0 =	veq.s32 v4, v0;
	vm1 =	vne.s32 v2, $0x0;
	v4 =	vmulhi.u32 $0x4EC4EC4F, v3  }
0x13: {  	vm0 =	vmand vm0, vm1  }
0x14: {  	v6 =	vsel vm0, $0xFFFFFFFF, v1;
	v4 =	vshrl.u32 v4, $0x3  }
0x15: {  	v6 =	vadd.s32 v6, v5;
	v5 =	vmul.u32 $0xFFFFFFE6, v4  }
0x16: {  	s0 =	simm.s32 $0x340;
	s23 =	simm.s32 $0x20;
	s22 =	simm.s32 $0x0;
	[tilespmem:s2+$0x0] =	vst v6  }
.LBB2_2:
0x17: {  	v6 =	vmov s3;
	[tilespmem:s0+$0x0] =	vst v2;
	v2 =	vadd.s32 v3, v5;
	v3 =	vor.u32 s23, v0;
	s3 =	smov.u32 s23;
	p0 =	sne.s32 s23, $0x330  }
.Ltmp0:
0x18: {  	s23 =	sadd.s32 $0x10, s23;
	v5 =	vmulhi.u32 $0x4EC4EC4F, v3;
	vm0 =	veq.s32 v6, v0;
	vm1 =	vne.s32 v2, $0x0;
	(pc) =	sbr.rel @p0 .LBB2_2-.Ltmp0, $4  }
0x19: {  	vm0 =	vmand vm0, vm1  }
0x1a: {  	v6 =	vshrl.u32 v5, $0x3;
	v7 =	vsel vm0, $0xFFFFFFFF, v1  }
0x1b: {  	s22 =	sadd.s32 $0x10, s22;
	v5 =	vmul.u32 $0xFFFFFFE6, v6;
	v7 =	vadd.s32 v7, v4;
	v4 =	vmov v6  }
0x1c: {  	s0 =	sadd.s32 $0x10, s0;
	[tilespmem:s22+$0x0] =	vst v7  }
0x1d: {  	v6 =	vmov s3;
	v3 =	vadd.s32 v3, v5  }
0x1e: {  	vm0 =	veq.s32 v6, v0;
	vm1 =	vne.s32 v3, $0x0  }
0x1f: {  	vm0 =	vmand vm0, vm1  }
0x20: {  	v63 =	vsel vm0, $0xFFFFFFFF, v1  }
0x21: {  	[tilespmem:s0+$0x0] =	vst v2;
	s29 =	sadd.s32 $0x10, s22;
	v2 =	vadd.s32 v63, v4  }
0x22: {  	s30 =	sadd.s32 $0x10, s0;
	[tilespmem:s29+$0x0] =	vst v2  }
0x23: {  	s22 =	simm.s32 $0x0;
	s31 =	simm.s32 $0x9C0;
	s23 =	simm.s32 $0x1;
	[tilespmem:s30+$0x0] =	vst v3  }
0x24: {  	s24 =	simm.s32 $0x0;
	s25 =	simm.s32 $0x0;
	_ =	strace $0x80000048  }
0x25: {  	[tilespmem:s31], [sflag:$0x2] =	stream.linear.gather [hbm4b:s7+s22], $0x1000, $0x200038;
	[tilespmem:$0x1C9C0] =	vst v63  }
0x26: {  	s26 =	simm.s32 $0x0;
	s28 =	simm.s32 $0x0;
	_ =	strace $0x90000048  }
.LBB2_4:
0x27: {  	s9 =	smov.u32 s22;
	s22 =	sadd.s32 $0x1, s22  }
0x28: {  	p0 =	seq.s32 s22, $0x4  }
0x29: {  	s22 =	simm.s32 @p0 $0x0  }
0x2a: {  	p6 =	sne.s32 s28, $0x3;
	p1 =	sne.s32 s9, s22  }
0x2b: {  	p0 =	por !p6, !p1  }
0x2c: {  	p0 =	por !p0, !p0  }
0x2d: {  	s3 =	sadd.s32 @p0 s6, s22  }
0x2e: {  	s0 =	sand.u32 @p0 $0x1, s23;
	_ =	strace @p0 $0x80000049;
	s3 =	sshll.u32 @p0 s3, $0x9  }
0x2f: {  	s30 =	simm.s32 @p0 $0x0;
	s29 =	sshll.u32 @p0 s0, $0xC;
	s3 =	sand.u32 @p0 $0x1FFFFE00, s3  }
0x30: {  	s0 =	sor.u32 @p0 $0x2, s0;
	s29 =	sor.u32 @p0 $0x9C0, s29;
	s3 =	sadd.s32 @p0 s4, s3  }
0x31: {  	[tilespmem:s29], [sflag:s0] =	stream.linear.gather @p0 [hbm4b:s3+s30], $0x1000, $0x200038;
	[tilespmem:$0x1C9C0] =	vst v63  }
0x32: {  	s3 =	sand.u32 $0x1, s26;
	_ =	strace @p0 $0x90000049  }
0x33: {  	s0 =	sor.u32 $0x2, s3;
	_ =	strace $0x8000004A  }
0x34: {  	_ =	swait.ge [sflag:s0], $0x1000  }
0x35: {  	[sflag:s0] =	ssyncset.done $0x0  }
0x36: {  	[sflag:s0] =	ssyncadd.s32 $0xFFFFF000  }
0x37: {  	_ =	strace $0x9000004A  }
0x38: {  	s31 =	simm.s32 $0x0;
	_ =	strace $0x8000004B  }
0x39: {  	v2 =	vld [tilespmem:s31+$0x0]  }
0x3a: {  	v3 =	vld [tilespmem:s31+$0x340];
	_ =	sdelay $0x4  }
0x3b: {  	s30 =	simm.s32 $0x10;
	v4 =	vand.u32 $0xFFFFFFF8, v3;
	v2 =	vshll.u32 v2, $0x7  }
0x3c: {  	v5 =	vld [tilespmem:s30+$0x0];
	v3 =	vand.u32 $0x7, v3;
	v2 =	vadd.s32 v2, v4  }
0x3d: {  	v4 =	vld [tilespmem:s30+$0x340];
	v2 =	vor.u32 v3, v2;
	_ =	sdelay $0x1  }
0x3e: {  	s3 =	sshll.u32 s26, $0xC  }
0x3f: {  	s0 =	sand.u32 $0x1000, s3  }
0x40: {  	s3 =	sor.u32 $0x9C0, s0  }
0x41: {  	s0 =	simm.s32 $0x20;
	v5 =	vshll.u32 v5, $0x7;
	v6 =	vand.u32 $0xFFFFFFF8, v4;
	v3 =	vld.idx.msk [tilespmem:v2+s3+$0x0], $0xffff  }
0x42: {  	s29 =	sadd.s32 s6, s9;
	s9 =	simm.s32 $0xC0;
	v4 =	vand.u32 $0x7, v4;
	v2 =	vld [tilespmem:s0+$0x0];
	v5 =	vadd.s32 v5, v6  }
.LBB2_5:
0x43: {  	p2 =	sne.s32 s9, $0xCC0;
	v6 =	vld [tilespmem:s0+$0x340];
	v4 =	vor.u32 v4, v5;
	_ =	sdelay $0x1  }
.Ltmp1:
0x44: {  	(pc) =	sbr.rel @p2 .LBB2_5-.Ltmp1, $4  }
0x45: {  	_ = 	snop  }
0x46: {  	[tilespmem:s31+$0x680] =	vst v3;
	s31 =	smov.u32 s30;
	s30 =	smov.u32 s0  }
0x47: {  	s0 =	sshra.s32 s9, $0x2;
	v7 =	vshll.u32 v2, $0x7;
	v5 =	vand.u32 $0xFFFFFFF8, v6;
	v3 =	vld.idx.msk [tilespmem:v4+s3+$0x0], $0xffff  }
0x48: {  	s9 =	sadd.s32 $0x40, s9;
	v4 =	vand.u32 $0x7, v6;
	v2 =	vld [tilespmem:s0+$0x0];
	v5 =	vadd.s32 v7, v5  }
0x49: {  	v6 =	vld [tilespmem:s0+$0x340]  }
0x4a: {  	v4 =	vor.u32 v4, v5;
	_ =	sdelay $0x3  }
0x4b: {  	[tilespmem:s31+$0x680] =	vst v3;
	v2 =	vshll.u32 v2, $0x7;
	v3 =	vand.u32 $0xFFFFFFF8, v6  }
0x4c: {  	v4 =	vld.idx.msk [tilespmem:v4+s3+$0x0], $0xffff;
	v63 =	vand.u32 $0x7, v6;
	v2 =	vadd.s32 v2, v3  }
0x4d: {  	v2 =	vor.u32 v63, v2;
	_ =	sdelay $0x3  }
0x4e: {  	[tilespmem:s30+$0x680] =	vst v4  }
0x4f: {  	v2 =	vld.idx.msk [tilespmem:v2+s3+$0x0], $0xffff  }
0x50: {  	s3 =	sand.u32 $0x1, s25  }
0x51: {  	s9 =	smul.u32 $0x34000, s3;
	_ =	sdelay $0x1  }
0x52: {  	s9 =	sshrl.u32 s9, $0x2  }
0x53: {  	[tilespmem:s0+$0x680] =	vst v2;
	s0 =	sadd.s32 $0x29C0, s9  }
0x54: {  	[tilespmem:s0], [sflag:$0x1] =	stream.indirect.gather [hbm4b:s5+s11], $0x40, s12, s11, $0x2000b8;
	[tilespmem:$0x1C9C0] =	vst v63  }
0x55: {  	s31 =	sadd.s32 $0x43C0, s9  }
0x56: {  	[tilespmem:s31], [sflag:$0x1] =	stream.indirect.gather [hbm4b:s5+s11], $0x40, s13, s11, $0x2000b8;
	[tilespmem:$0x1C9C0] =	vst v63  }
0x57: {  	s31 =	sadd.s32 $0x5DC0, s9  }
0x58: {  	[tilespmem:s31], [sflag:$0x1] =	stream.indirect.gather [hbm4b:s5+s11], $0x40, s14, s11, $0x2000b8;
	[tilespmem:$0x1C9C0] =	vst v63  }
0x59: {  	s31 =	sadd.s32 $0x77C0, s9  }
0x5a: {  	[tilespmem:s31], [sflag:$0x1] =	stream.indirect.gather [hbm4b:s5+s11], $0x40, s15, s11, $0x2000b8;
	[tilespmem:$0x1C9C0] =	vst v63  }
0x5b: {  	s31 =	sadd.s32 $0x91C0, s9  }
0x5c: {  	[tilespmem:s31], [sflag:$0x1] =	stream.indirect.gather [hbm4b:s5+s11], $0x40, s16, s11, $0x2000b8;
	[tilespmem:$0x1C9C0] =	vst v63  }
0x5d: {  	s31 =	sadd.s32 $0xABC0, s9  }
0x5e: {  	[tilespmem:s31], [sflag:$0x1] =	stream.indirect.gather [hbm4b:s5+s11], $0x40, s17, s11, $0x2000b8;
	[tilespmem:$0x1C9C0] =	vst v63  }
0x5f: {  	s31 =	sadd.s32 $0xC5C0, s9  }
0x60: {  	[tilespmem:s31], [sflag:$0x1] =	stream.indirect.gather [hbm4b:s5+s11], $0x40, s18, s11, $0x2000b8;
	[tilespmem:$0x1C9C0] =	vst v63  }
0x61: {  	s9 =	sadd.s32 $0xDFC0, s9  }
0x62: {  	[tilespmem:s9], [sflag:$0x1] =	stream.indirect.gather [hbm4b:s5+s11], $0x40, s19, s11, $0x2000b8;
	[tilespmem:$0x1C9C0] =	vst v63  }
0x63: {  	_ =	swait.ge [sflag:s10], $0x1A00  }
0x64: {  	[sflag:s10] =	ssyncset.done $0x0  }
0x65: {  	[sflag:s10] =	ssyncadd.s32 $0xFFFFE600  }
0x66: {  	_ =	swait.ge [sflag:s10], $0x1A00  }
0x67: {  	[sflag:s10] =	ssyncset.done $0x0  }
0x68: {  	[sflag:s10] =	ssyncadd.s32 $0xFFFFE600  }
0x69: {  	_ =	swait.ge [sflag:s10], $0x1A00  }
0x6a: {  	[sflag:s10] =	ssyncset.done $0x0  }
0x6b: {  	[sflag:s10] =	ssyncadd.s32 $0xFFFFE600  }
0x6c: {  	_ =	swait.ge [sflag:s10], $0x1A00  }
0x6d: {  	[sflag:s10] =	ssyncset.done $0x0  }
0x6e: {  	[sflag:s10] =	ssyncadd.s32 $0xFFFFE600  }
0x6f: {  	_ =	swait.ge [sflag:s10], $0x1A00  }
0x70: {  	[sflag:s10] =	ssyncset.done $0x0  }
0x71: {  	[sflag:s10] =	ssyncadd.s32 $0xFFFFE600  }
0x72: {  	_ =	swait.ge [sflag:s10], $0x1A00  }
0x73: {  	[sflag:s10] =	ssyncset.done $0x0  }
0x74: {  	[sflag:s10] =	ssyncadd.s32 $0xFFFFE600  }
0x75: {  	_ =	swait.ge [sflag:s10], $0x1A00  }
0x76: {  	[sflag:s10] =	ssyncset.done $0x0  }
0x77: {  	p2 =	seq.s32 s28, $0x3;
	[sflag:s10] =	ssyncadd.s32 $0xFFFFE600  }
0x78: {  	p1 =	por p2, p1;
	_ =	swait.ge [sflag:s10], $0x1A00  }
0x79: {  	s30 =	simm.s32 @p1 $0x0;
	s9 =	smul.u32 @p1 $0xD000, s29;
	[sflag:s10] =	ssyncset.done $0x0  }
0x7a: {  	s3 =	sor.u32 @p1 $0x4, s3;
	s29 =	simm.s32 $0x1;
	[sflag:s10] =	ssyncadd.s32 $0xFFFFE600  }
0x7b: {  	s29 =	simm.s32 @!p0 $0x0;
	s9 =	sshrl.u32 @p1 s9, $0x3;
	_ =	strace $0x9000004B  }
0x7c: {  	p0 =	seq.s32 s28, $0x0;
	s9 =	sadd.s32 @p1 s1, s9;
	_ =	strace @p1 $0x8000004C  }
0x7d: {  	[hbm4b:s9+s30] =	stream.linear.scatter @p1 [tilespmem:s0], [sflag:s3], $0xD000, $0x200038;
	[tilespmem:$0x1C9C0] =	vst v63  }
0x7e: {  	s0 =	simm.s32 $0x1;
	s9 =	simm.s32 $0x1;
	_ =	strace @p1 $0x9000004C  }
0x7f: {  	s0 =	simm.s32 @!p1 $0x0;
	p1 =	sne.s32 s28, $0x0;
	s28 =	sadd.s32 $0x1, s28  }
0x80: {  	s3 =	sand.u32 @!p0 $0x1, s24;
	s9 =	simm.s32 @!p1 $0x0;
	p1 =	sne.s32 s28, $0x4  }
.Ltmp2:
0x81: {  	s3 =	sor.u32 @!p0 $0x4, s3;
	_ =	strace @!p0 $0x8000004D;
	(pc) =	sbr.rel @p1 .LBB2_4-.Ltmp2, $4  }
0x82: {  	_ =	swait.ge @!p0 [sflag:s3], $0xD000  }
0x83: {  	[sflag:s3] =	ssyncset.done @!p0 $0x0  }
0x84: {  	s23 =	sadd.s32 s29, s23;
	s25 =	sadd.s32 s0, s25;
	[sflag:s3] =	ssyncadd.s32 @!p0 $0xFFFF3000  }
0x85: {  	s26 =	sadd.s32 s0, s26;
	s24 =	sadd.s32 s9, s24;
	_ =	strace @!p0 $0x9000004D  }
0x86: {  	s21 =	sadd.s32 $0x1, s21  }
0x87: {  	p0 =	sne.s32 s21, s8  }
.Ltmp3:
0x88: {  	_ =	strace $0x8000004E;
	(pc) =	sbr.rel @p0 .LBB2_1-.Ltmp3, $4  }
0x89: {  	_ =	swait.ge [sflag:s20], $0xD000  }
0x8a: {  	[sflag:s20] =	ssyncset.done $0x0  }
0x8b: {  	[sflag:s20] =	ssyncadd.s32 $0xFFFF3000  }
0x8c: {  	_ =	strace $0x9000004E  }
0x8d: {  	_ =	sfence.sel $0x180000  }
0x8e: {  	[bflag:$0x0] =	sbarrier.arrive $0xFFFF  }
0x8f: {  	_ =	strace $0x90000047  }
0x90: {  	s0 =	stileid.u32;
	[bflag:$0x2] =	sbarrier.arrive $0xFFFF  }
0x91: {  	p0 =	sne.s32 s0, $0x0;
	s0 =	rddreg [dreg:$0x2]  }
0x92: {  	s0 =	sadd.s32 @!p0 $0x100000, s0  }
0x93: {  	[sflag:s0] =	ssyncadd.tile.s32 @!p0 $0x1;
	_ =	shalt  }
.Lfunc_end2:
_tile_overlayer_lowered:
.L_overlay_start_2:
0x94: {  	(tag) =	ssettag $0x2  }
0x95: {  	s0 =	rddreg [dreg:$0x0];
	s2 =	stileid.u32  }
0x96: {  	s1 =	rddreg [dreg:$0x1];
	p0 =	sne.s32 s2, $0x0  }
0x97: {  	s3 =	rddreg [dreg:$0x2];
	[bflag:$0x3] =	sbarrier.arrive $0xFFFF;
	s2 =	simm.s32 @!p0 $0x1C02  }
0x98: {  	[timem:s3], [sflag:s2] =	dma.local @!p0 [hbm:s0], s1  }
0x99: {  	s0 =	simm.s32 @!p0 $0x2  }
0x9a: {  	_ =	swait.ge @!p0 [sflag:s0], s1  }
0x9b: {  	s1 =	ssub.s32 @!p0 $0x0, s1;
	[sflag:s0] =	ssyncset.done @!p0 $0x0  }
0x9c: {  	[sflag:s0] =	ssyncadd.s32 @!p0 s1  }
0x9d: {  	[bflag:$0x3] =	sbarrier.arrive $0xFFFF  }
0x9e: {  	_ =	shalt  }

</sc_bundles>
